<compile_context>
chip_gen: v7x
topology: tpu7x:2x2x1
jax: 0.10.2.dev20260603
libtpu: 0.0.44.dev20260713+nightly
codegen_flags: <defaults>
</compile_context>

<pallas_src>
import functools

import numpy as np
import jax
import jax.numpy as jnp
from jax import lax
from jax.experimental import pallas as pl
from jax.experimental.pallas import tpu as pltpu
from jax.experimental.pallas import tpu_sc as plsc

F32 = jnp.float32
_L = 10.0
_NFOUR = 16
_NK = _NFOUR ** 3
_FFTCH = 2
_N = 512
_M = 32
_P = _N * _M
_PCH = 1024
_NPC = _P // _PCH
_KCH = _NFOUR ** 2

_K1 = (2.0 * np.pi * np.fft.fftfreq(_NFOUR, d=_L / _NFOUR)).astype(np.float32)
_KT = np.stack(np.meshgrid(_K1, _K1, _K1, indexing='ij'),
               axis=0).reshape(3, _NK).astype(np.float32)
_K2YZ = (_KT[1, :_KCH] ** 2 + _KT[2, :_KCH] ** 2).astype(np.float32)

_S = 4
_ROWPAD = 16

_HI = jax.lax.Precision.HIGHEST


def _mm(a, b):
    return jax.lax.dot(a, b, precision=_HI)


def _mm_nt(a, b):
    return jax.lax.dot_general(a, b, (((1,), (1,)), ((), ())), precision=_HI)



_B = _S * _P
_V = _S * _N


@functools.cache
def _sc_kernels():
    info = plsc.get_sparse_core_info()
    nc, ns = info.num_cores, info.num_subcores
    nw = nc * ns
    bpw = 2 * _B // nw
    rps = _V // ns
    mesh = plsc.VectorSubcoreMesh(core_axis_name="c", subcore_axis_name="s")

    @functools.partial(
        pl.kernel, mesh=mesh,
        compiler_params=pltpu.CompilerParams(use_tc_tiling_on_sc=False),
        out_type=jax.ShapeDtypeStruct((2 * _B, _ROWPAD), jnp.float32),
        scratch_types=[
            pltpu.VMEM((bpw,), jnp.int32),
            pltpu.VMEM((bpw, _ROWPAD), jnp.float32),
            pltpu.SemaphoreType.DMA,
        ],
    )
    def gather(table_hbm, idx_hbm, out_hbm, idx_v, rows_v, sem):
        wid = lax.axis_index("s") * nc + lax.axis_index("c")
        base = wid * bpw
        pltpu.sync_copy(idx_hbm.at[pl.ds(base, bpw)], idx_v)
        pltpu.async_copy(table_hbm.at[idx_v], rows_v, sem).wait()
        pltpu.sync_copy(rows_v, out_hbm.at[pl.ds(base, bpw)])

    @functools.partial(
        pl.kernel, mesh=mesh,
        compiler_params=pltpu.CompilerParams(use_tc_tiling_on_sc=False),
        out_type=jax.ShapeDtypeStruct((nc, _V, _ROWPAD), jnp.float32),
        scratch_types=[
            pltpu.VMEM((_B // nw,), jnp.int32),
            pltpu.VMEM((_B // nw, _ROWPAD), jnp.float32),
            pltpu.VMEM_SHARED((_V, _ROWPAD), jnp.float32),
            pltpu.SemaphoreType.DMA,
        ],
    )
    def scatter(vals_hbm, idx_hbm, zeros_hbm, out_hbm, idx_v, val_v, acc, sem):
        cid = lax.axis_index("c")
        sid = lax.axis_index("s")
        wid = sid * nc + cid
        spw = _B // nw
        base = wid * spw

        @pl.when(sid == 0)
        def _():
            pltpu.sync_copy(zeros_hbm, acc)
        plsc.subcore_barrier()
        pltpu.sync_copy(idx_hbm.at[pl.ds(base, spw)], idx_v)
        pltpu.sync_copy(vals_hbm.at[pl.ds(base, spw)], val_v)
        pltpu.sync_copy(val_v, acc.at[idx_v], add=True)
        plsc.subcore_barrier()
        pltpu.sync_copy(acc.at[pl.ds(sid * rps, rps)],
                        out_hbm.at[cid, pl.ds(sid * rps, rps)])

    return gather, scatter


def _sc_gather(table, idx):
    return _sc_kernels()[0](table, idx)


def _sc_scatter(vals, idx, zeros):
    return _sc_kernels()[1](vals, idx, zeros)



def _body(XT_ref, GXT_ref, XIT_ref, k1c_ref, KT_ref, kx2_ref, k2yzc_ref, k2yzr_ref,
          pW0, pW1, pW2, pW3, pW4, pT0, pT1, pT2, pT3, pT4,
          pb0, pb1, pb2, pb3, pb4,
          lW0, lW1, lW2, lW3, lW4, lT0, lT1, lT2, lT3, lT4,
          lb0, lb1, lb2, lb3, lb4,
          fW0, fW1, fW2, fW3, fW4, fT0, fT1, fT2, fT3, fT4,
          fb0, fb1, fb2, fb3, fb4,
          linW, linb, mur, muc, ampr, ampc,
          E_ref, FT_ref, dd_ref,
          dT_scr, ur_scr, ex_scr, Pc_scr, Ps_scr):
    XT = XT_ref[0]
    pWs = [pW0[...], pW1[...], pW2[...], pW3[...], pW4[...]]
    pTs = [pT0[...], pT1[...], pT2[...], pT3[...], pT4[...]]
    pbs = [pb0[...], pb1[...], pb2[...], pb3[...], pb4[...]]
    lWs = [lW0[...], lW1[...], lW2[...], lW3[...], lW4[...]]
    lTs = [lT0[...], lT1[...], lT2[...], lT3[...], lT4[...]]
    lbs = [lb0[...], lb1[...], lb2[...], lb3[...], lb4[...]]
    fWs = [fW0[...], fW1[...], fW2[...], fW3[...], fW4[...]]
    fTs = [fT0[...], fT1[...], fT2[...], fT3[...], fT4[...]]
    fbs = [fb0[...], fb1[...], fb2[...], fb3[...], fb4[...]]

    def pyr_fwd_chunk(ur):
        zs = []
        y = jnp.tanh(_mm(pTs[0], ur) + pbs[0])
        zs.append(y)
        for k in range(1, 5):
            z = jnp.tanh(_mm(pTs[k], y) + pbs[k])
            zs.append(z)
            y = z + jnp.concatenate([y, y], axis=0)
        return zs, y

    subs = lax.broadcasted_iota(jnp.int32, (_N, 1), 0)

    def pair_fwd(c, DT):
        lanep = lax.broadcasted_iota(jnp.int32, (1, _PCH), 1) + c * _PCH
        ohiT = ((lanep // _M) == subs).astype(F32)
        xjT = GXT_ref[0, pl.ds(c, 1)].reshape(3, _PCH)
        xiT = XIT_ref[0, pl.ds(c, 1)].reshape(3, _PCH)
        dT = xjT - xiT
        dT = dT - _L * jnp.round(dT * (1.0 / _L))
        r2 = jnp.sum(dT * dT, axis=0, keepdims=True)
        ur = 1.0 / jnp.sqrt(jnp.maximum(r2, 1e-12))
        dT_scr[pl.ds(c, 1)] = dT.reshape(1, 3, _PCH)
        ur_scr[pl.ds(c, 1)] = ur.reshape(1, 1, _PCH)
        zs, L1T = pyr_fwd_chunk(ur)
        LLT = L1T * ur
        seg = ((lax.broadcasted_iota(jnp.int32, (_PCH, _N), 0) + c * _PCH) // _M
               == lax.broadcasted_iota(jnp.int32, (_PCH, _N), 1)).astype(F32)
        return DT + _mm(LLT, seg)

    DT = lax.fori_loop(0, _NPC, pair_fwd, jnp.zeros((_M, _N), F32))

    k1c = k1c_ref[...]
    ex_scr[0] = jnp.cos(k1c * XT[0:1, :])
    ex_scr[1] = jnp.sin(k1c * XT[0:1, :])
    EcyT = jnp.cos(k1c * XT[1:2, :])
    EsyT = jnp.sin(k1c * XT[1:2, :])
    EczT = jnp.cos(k1c * XT[2:3, :])
    EszT = jnp.sin(k1c * XT[2:3, :])
    rsel = lax.broadcasted_iota(jnp.int32, (_KCH, _NFOUR), 0)
    csel = lax.broadcasted_iota(jnp.int32, (_KCH, _NFOUR), 1)
    RmT = ((rsel // _NFOUR) == csel).astype(F32)
    TmT = ((rsel % _NFOUR) == csel).astype(F32)
    cyR, syR = _mm(RmT, EcyT), _mm(RmT, EsyT)
    czT, szT = _mm(TmT, EczT), _mm(TmT, EszT)
    Pc_scr[...] = cyR * czT - syR * szT
    Ps_scr[...] = syR * czT + cyR * szT
    Pc = Pc_scr[...]
    Ps = Ps_scr[...]

    mur_ = mur[...]
    muc_ = muc[...]
    ampr_ = ampr[...]
    ampc_ = ampc[...]
    k2yzc = k2yzc_ref[...]
    k2yzr = k2yzr_ref[...]
    kx2 = kx2_ref[...]
    fourpi = F32(4.0 * np.pi)

    def nufft_fwd(c, lrT):
        eca = ex_scr[0, pl.ds(c, 1), :]
        esa = ex_scr[1, pl.ds(c, 1), :]
        cosk = eca * Pc - esa * Ps
        sink = esa * Pc + eca * Ps
        Ckc = jnp.sum(cosk, axis=1, keepdims=True)
        Skc = jnp.sum(sink, axis=1, keepdims=True)
        kx2s = kx2_ref[pl.ds(c, 1), :]
        multR = fourpi * ampc_ / (kx2s + k2yzr + muc_ * muc_)
        return lrT + _mm(multR, cosk * Ckc + sink * Skc)

    lrT = lax.fori_loop(0, _NFOUR, nufft_fwd, jnp.zeros((_FFTCH, _N), F32))
    lrT = lrT * F32(1.0 / _NK)

    rz = []
    yr = jnp.maximum(_mm(lTs[0], lrT) + lbs[0], 0.0)
    rz.append(yr)
    for k in range(1, 5):
        z = jnp.maximum(_mm(lTs[k], yr) + lbs[k], 0.0)
        rz.append(z)
        din, dout = lWs[k].shape
        if dout == din:
            yr = z + yr
        elif dout == 2 * din:
            yr = z + jnp.concatenate([yr, yr], axis=0)
        else:
            yr = z
    L3T = yr

    DLT = jnp.concatenate([DT, L3T], axis=0)
    fs = []
    f = DLT
    for k in range(5):
        f = jnp.tanh(_mm(fTs[k], f) + fbs[k])
        fs.append(f)
    FoutT = linW[...] * f + linb[...]
    E_ref[...] = jnp.sum(FoutT).reshape(1, 1, 1)

    df = jnp.ones((1, _N), F32) * linW[...]
    for k in range(4, -1, -1):
        da = df * (1.0 - fs[k] * fs[k])
        df = _mm(fWs[k], da)
    gT = df[:_M, :]
    dy = df[_M:, :]

    for k in range(4, 0, -1):
        din, dout = lWs[k].shape
        da = jnp.where(rz[k] > 0.0, dy, 0.0)
        dprev = _mm(lWs[k], da)
        if dout == din:
            dprev = dprev + dy
        elif dout == 2 * din:
            dprev = dprev + dy[:din, :] + dy[din:, :]
        dy = dprev
    da = jnp.where(rz[0] > 0.0, dy, 0.0)
    hT = _mm(lWs[0], da)

    def nufft_bwd(c, gacc):
        eca = ex_scr[0, pl.ds(c, 1), :]
        esa = ex_scr[1, pl.ds(c, 1), :]
        cosk = eca * Pc - esa * Ps
        sink = esa * Pc + eca * Ps
        Ckc = jnp.sum(cosk, axis=1, keepdims=True)
        Skc = jnp.sum(sink, axis=1, keepdims=True)
        kx2s = kx2_ref[pl.ds(c, 1), :]
        multT = fourpi * ampr_ / (kx2s + k2yzc + mur_ * mur_)
        Mh = _mm(multT, hT)
        Mc = Mh * cosk
        Ms = Mh * sink
        Ac = jnp.sum(Mc, axis=1, keepdims=True)
        Bc = jnp.sum(Ms, axis=1, keepdims=True)
        G = cosk * Bc - sink * Ac + Mc * Skc - Ms * Ckc
        KTc = KT_ref[:, pl.ds(c * _KCH, _KCH)]
        return gacc + _mm(KTc, G)

    gaccT = lax.fori_loop(0, _NFOUR, nufft_bwd, jnp.zeros((3, _N), F32))
    gaccT = gaccT * F32(1.0 / _NK)

    def pair_bwd(c, dacc):
        ur = ur_scr[pl.ds(c, 1)].reshape(1, _PCH)
        dT = dT_scr[pl.ds(c, 1)].reshape(3, _PCH)
        zs, L1T = pyr_fwd_chunk(ur)
        lanep = lax.broadcasted_iota(jnp.int32, (1, _PCH), 1) + c * _PCH
        segT = (lax.broadcasted_iota(jnp.int32, (_N, _PCH), 0)
                == ((lax.broadcasted_iota(jnp.int32, (_N, _PCH), 1) + c * _PCH)
                    // _M)).astype(F32)
        dLLT = _mm(gT, segT)
        duT = jnp.sum(dLLT * L1T, axis=0, keepdims=True)
        dyk = dLLT * ur
        for k in range(4, 0, -1):
            din, dout = pWs[k].shape
            da = dyk * (1.0 - zs[k] * zs[k])
            dyk = _mm(pWs[k], da) + dyk[:din, :] + dyk[din:, :]
        da0 = dyk * (1.0 - zs[0] * zs[0])
        duT = duT + _mm(pWs[0], da0)
        r2 = jnp.sum(dT * dT, axis=0, keepdims=True)
        u3 = jnp.where(r2 > 1e-12, ur * ur * ur, 0.0)
        ddT = -duT * u3 * dT
        dd_ref[0, pl.ds(c, 1)] = ddT.reshape(1, 3, _PCH)
        ohiT = ((lanep // _M) == subs).astype(F32)
        return dacc - _mm_nt(ddT, ohiT)

    daccT = lax.fori_loop(0, _NPC, pair_bwd, jnp.zeros((3, _N), F32))

    FT_ref[0] = -(daccT + gaccT)


def _full(shape):
    nd = len(shape)
    return pl.BlockSpec(shape, lambda i: (0,) * nd)


@jax.jit
def kernel(inputs, neighList, pyr_Ws, pyr_bs, lr_Ws, lr_bs, fit_Ws, fit_bs,
           lin_W, lin_b, nufft_mu, nufft_amp):
    S = inputs.shape[0]
    XT = inputs.transpose(0, 2, 1)
    nl = neighList.astype(jnp.int32)
    gidx = (nl + (jnp.arange(S, dtype=jnp.int32) * _N)[:, None, None]
            ).reshape(_B)
    Xpad = jnp.pad(inputs.reshape(_V, 3), ((0, 0), (0, _ROWPAD - 3)))
    zeros_acc = jnp.zeros((_V, _ROWPAD), F32)
    iidx = (jnp.broadcast_to(jnp.arange(_N, dtype=jnp.int32)[None, :, None],
                             (S, _N, _M))
            + (jnp.arange(S, dtype=jnp.int32) * _N)[:, None, None]).reshape(_B)
    GX2 = _sc_gather(Xpad, jnp.concatenate([gidx, iidx]))
    GXT = GX2[:_B, 0:3].reshape(S, _NPC, _PCH, 3).transpose(0, 1, 3, 2)
    XIT = GX2[_B:, 0:3].reshape(S, _NPC, _PCH, 3).transpose(0, 1, 3, 2)
    k1c = jnp.asarray(_K1).reshape(_NFOUR, 1)
    KT = jnp.asarray(_KT)
    kx2 = jnp.asarray(_K1 ** 2).reshape(_NFOUR, 1)
    k2yzc = jnp.asarray(_K2YZ).reshape(_KCH, 1)
    k2yzr = jnp.asarray(_K2YZ).reshape(1, _KCH)
    mur = nufft_mu.reshape(1, _FFTCH)
    muc = nufft_mu.reshape(_FFTCH, 1)
    ampr = nufft_amp.reshape(1, _FFTCH)
    ampc = nufft_amp.reshape(_FFTCH, 1)

    pTs = [w.T for w in pyr_Ws]
    lTs = [w.T for w in lr_Ws]
    fTs = [w.T for w in fit_Ws]
    pbs = [b.reshape(-1, 1) for b in pyr_bs]
    lbs = [b.reshape(-1, 1) for b in lr_bs]
    fbs = [b.reshape(-1, 1) for b in fit_bs]

    operands = ([XT, GXT, XIT, k1c, KT, kx2, k2yzc, k2yzr]
                + list(pyr_Ws) + pTs + pbs
                + list(lr_Ws) + lTs + lbs
                + list(fit_Ws) + fTs + fbs
                + [lin_W, lin_b.reshape(1, 1), mur, muc, ampr, ampc])

    in_specs = [pl.BlockSpec((1, 3, _N), lambda i: (i, 0, 0)),
                pl.BlockSpec((1, _NPC, 3, _PCH), lambda i: (i, 0, 0, 0)),
                pl.BlockSpec((1, _NPC, 3, _PCH), lambda i: (i, 0, 0, 0))]
    in_specs += [_full(op.shape) for op in operands[3:]]

    out_shapes = (jax.ShapeDtypeStruct((S, 1, 1), F32),
                  jax.ShapeDtypeStruct((S, 3, _N), F32),
                  jax.ShapeDtypeStruct((S, _NPC, 3, _PCH), F32))
    out_specs = (pl.BlockSpec((1, 1, 1), lambda i: (i, 0, 0)),
                 pl.BlockSpec((1, 3, _N), lambda i: (i, 0, 0)),
                 pl.BlockSpec((1, _NPC, 3, _PCH), lambda i: (i, 0, 0, 0)))

    scratch = [pltpu.VMEM((_NPC, 3, _PCH), F32),
               pltpu.VMEM((_NPC, 1, _PCH), F32),
               pltpu.VMEM((2, _NFOUR, _N), F32),
               pltpu.VMEM((_KCH, _N), F32),
               pltpu.VMEM((_KCH, _N), F32)]

    E3, FT, dd = pl.pallas_call(
        _body,
        grid=(S,),
        in_specs=in_specs,
        out_specs=out_specs,
        out_shape=out_shapes,
        scratch_shapes=scratch,
    )(*operands)
    ddrows = jnp.pad(dd.transpose(0, 1, 3, 2).reshape(_B, 3),
                     ((0, 0), (0, _ROWPAD - 3)))
    FJ = _sc_scatter(ddrows, gidx, zeros_acc)
    gj = jnp.sum(FJ, axis=0).reshape(S, _N, _ROWPAD)[:, :, 0:3]
    return (E3.reshape(S, 1), FT.transpose(0, 2, 1) - gj)

# --- scband reference (transcript-rebuilt; emitter-appended) ---
"""Pipeline reference for scband-deep-mdsimple-energy-nufft-84361747628285 (READ-ONLY COPY).

The authoritative reference and input builder live on the scoring server;
editing this copy changes nothing except your own understanding.
"""

import jax, jax.numpy as jnp
import numpy as np

NSAMPLES = 4
NPOINTS = 512
MAXNEIGHS = 32
L = 10.0
NFOUR = 16
FFTCH = 2
MU = 10.0
DESCRIP = [2, 4, 8, 16, 32]
FITTING = [16, 8, 4, 2, 1]
AV = np.array([0.0, 0.0], dtype=np.float32)
STD = np.array([1.0, 1.0], dtype=np.float32)

def _kgrid():
    k1 = 2.0 * np.pi * np.fft.fftfreq(NFOUR, d=L / NFOUR)
    Kx, Ky, Kz = np.meshgrid(k1, k1, k1, indexing='ij')
    return jnp.asarray(np.stack([Kx.ravel(), Ky.ravel(), Kz.ravel()], axis=-1), dtype=jnp.float32)

KGRID = _kgrid()
NK = KGRID.shape[0]

def _mlp_params(key, d_in, dims):
    Ws, bs = [], []
    d = d_in
    for dd in dims:
        key, k1 = jax.random.split(key)
        s = np.sqrt(2.0 / (d + dd)).astype(np.float32)
        Ws.append(jax.random.normal(k1, (d, dd), dtype=jnp.float32) * s)
        bs.append(jnp.zeros((dd,), dtype=jnp.float32))
        d = dd
    return Ws, bs

def setup_inputs() -> dict:
    key = jax.random.PRNGKey(0)
    ks = jax.random.split(key, 8)
    inputs = jax.random.uniform(ks[0], (NSAMPLES, NPOINTS, 3), dtype=jnp.float32) * L
    u = jax.random.randint(ks[1], (NSAMPLES, NPOINTS, MAXNEIGHS), 0, NPOINTS - 1)
    i_idx = jnp.arange(NPOINTS, dtype=u.dtype)[None, :, None]
    neighList = ((i_idx + 1 + u) % NPOINTS).astype(jnp.int32)
    pyr_Ws, pyr_bs = _mlp_params(ks[2], 1, DESCRIP)
    lr_Ws, lr_bs = _mlp_params(ks[3], FFTCH, DESCRIP)
    fit_Ws, fit_bs = _mlp_params(ks[4], 2 * DESCRIP[-1], FITTING)
    lin_W = jax.random.normal(ks[5], (FITTING[-1], 1), dtype=jnp.float32) * 0.5
    lin_b = jnp.zeros((1,), dtype=jnp.float32)
    nufft_mu = jnp.linspace(0.5 * MU, MU, FFTCH).astype(jnp.float32)
    nufft_amp = jnp.ones((FFTCH,), dtype=jnp.float32)
    return {"inputs": inputs, "neighList": neighList, "pyr_Ws": pyr_Ws, "pyr_bs": pyr_bs,
            "lr_Ws": lr_Ws, "lr_bs": lr_bs, "fit_Ws": fit_Ws, "fit_bs": fit_bs,
            "lin_W": lin_W, "lin_b": lin_b, "nufft_mu": nufft_mu, "nufft_amp": nufft_amp}

def gen_dist_inv(Rin, neighList):
    # generalized coordinates [1/r, x/r^2, y/r^2, z/r^2] with periodic min-image and -1 padding mask
    mask = neighList >= 0
    safe = jnp.where(mask, neighList, 0)
    xj = jax.vmap(lambda r, idx: r[idx])(Rin, safe)  # (S, N, M, 3) gather
    diff = xj - Rin[:, :, None, :]
    diff = diff - L * jnp.round(diff / L)
    r2 = jnp.sum(diff * diff, axis=-1)
    r = jnp.sqrt(jnp.maximum(r2, 1e-12))
    rinv = 1.0 / r
    binv = (rinv - AV[0]) / STD[0]
    bdir = (diff * (rinv * rinv)[..., None] - AV[1]) / STD[1]
    gc = jnp.concatenate([binv[..., None], bdir], axis=-1)
    gc = jnp.where(mask[..., None], gc, 0.0)
    return gc.reshape((-1, 4))

def pyramid(x, Ws, bs, act):
    y = act(x @ Ws[0] + bs[0])
    for k in range(1, len(Ws)):
        din, dout = Ws[k].shape
        z = act(y @ Ws[k] + bs[k])
        if dout == din:
            y = z + y
        elif dout == 2 * din:
            y = z + jnp.concatenate([y, y], axis=-1)
        else:
            y = z
    return y

def nufft_layer(Rin, nufft_mu, nufft_amp):
    # direct (type-3) NUFFT: forward transform, screened-Coulomb multiplier per channel, inverse at source points
    phase = jnp.einsum('snd,kd->snk', Rin, KGRID)
    cosx = jnp.cos(phase)
    sinx = jnp.sin(phase)
    rr = jnp.sum(cosx, axis=1)   # (S, NK) Re(rhs)
    ri = -jnp.sum(sinx, axis=1)  # (S, NK) Im(rhs)
    k2 = jnp.sum(KGRID * KGRID, axis=-1)
    mult = 4.0 * np.pi * nufft_amp[:, None] / (k2[None, :] + nufft_mu[:, None] ** 2)
    fr = rr[:, None, :] * mult[None, :, :]
    fi = ri[:, None, :] * mult[None, :, :]
    out = jnp.einsum('sck,snk->snc', fr, cosx) - jnp.einsum('sck,snk->snc', fi, sinx)
    return out / NK

def energy_fn(inputs, neighList, pyr_Ws, pyr_bs, lr_Ws, lr_bs, fit_Ws, fit_bs, lin_W, lin_b, nufft_mu, nufft_amp):
    gc = gen_dist_inv(inputs, neighList)
    L1 = pyramid(gc[:, :1], pyr_Ws, pyr_bs, jnp.tanh)
    LL = L1 * gc[:, :1]
    Dtemp = LL.reshape((-1, MAXNEIGHS, DESCRIP[-1]))
    D = jnp.sum(Dtemp, axis=1)
    lr = nufft_layer(inputs, nufft_mu, nufft_amp)
    L3 = pyramid(lr.reshape((-1, FFTCH)), lr_Ws, lr_bs, jax.nn.relu)
    DL = jnp.concatenate([D, L3], axis=1)
    F2 = pyramid(DL, fit_Ws, fit_bs, jnp.tanh)
    Fout = F2 @ lin_W + lin_b
    return jnp.sum(Fout.reshape((-1, NPOINTS)), axis=1, keepdims=True)

def reference(inputs, neighList, pyr_Ws, pyr_bs, lr_Ws, lr_bs, fit_Ws, fit_bs, lin_W, lin_b, nufft_mu, nufft_amp):
    Energy = energy_fn(inputs, neighList, pyr_Ws, pyr_bs, lr_Ws, lr_bs, fit_Ws, fit_bs, lin_W, lin_b, nufft_mu, nufft_amp)
    Forces = -jax.grad(lambda x: jnp.sum(energy_fn(x, neighList, pyr_Ws, pyr_bs, lr_Ws, lr_bs, fit_Ws, fit_bs, lin_W, lin_b, nufft_mu, nufft_amp)))(inputs)
    return (Energy, Forces)

if __name__ == "__main__":
    import jax
    _d = setup_inputs()
    print(jax.jit(kernel)(*tuple(_d.values())))

</pallas_src>

<mosaic_0001>
#map = affine_map<(d0, d1) -> (0, 0)>
#map1 = affine_map<(d0, d1) -> (0)>
module attributes {stable_mosaic.version = 14 : i64} {
  func.func @gather(%arg0: i32, %arg1: i32, %arg2: memref<2048x16xf32, #tpu.memory_space<hbm>>, %arg3: memref<131072xi32, #tpu.memory_space<hbm>>, %arg4: memref<131072x16xf32, #tpu.memory_space<hbm>>, %arg5: memref<4096xi32, #tpu.memory_space<vmem>>, %arg6: memref<4096x16xf32, #tpu.memory_space<vmem>>, %arg7: memref<!tpu.dma_semaphore, #tpu.memory_space<semaphore_mem>>) attributes {dimension_semantics = [#tpu.dimension_semantics<core_parallel>, #tpu.dimension_semantics<subcore_parallel>], iteration_bounds = array<i64: 2, 16>, scalar_prefetch = 0 : i64, scratch_operands = 3 : i64, tpu.core_type = #tpu.core_type<sc_vector_subcore>, window_params = [{transform_indices = #map}, {transform_indices = #map1}, {transform_indices = #map}]} {
    %mul3A = arith.constant 2 : i32
    %mul3A_0 = arith.muli %arg1, %mul3A : i32
    %add3A = arith.addi %mul3A_0, %arg0 : i32
    %mul3A_1 = arith.constant 4096 : i32
    %mul3A_2 = arith.muli %add3A, %mul3A_1 : i32
    "tpu.region"() ({
      %run_scoped3A = tpu.sem_alloc : memref<!tpu.dma_semaphore, #tpu.memory_space<semaphore_mem>>
      %dma_start3A_7 = tpu.memref_slice %arg3[%mul3A_2] : memref<131072xi32, #tpu.memory_space<hbm>> -> memref<4096xi32, #tpu.memory_space<hbm>>
      %dma_start3A_8 = tpu.memref_slice %arg3[%mul3A_2] : memref<131072xi32, #tpu.memory_space<hbm>> -> memref<4096xi32, #tpu.memory_space<hbm>>
      tpu.enqueue_dma source(%dma_start3A_8 : memref<4096xi32, #tpu.memory_space<hbm>>) target(%arg5 : memref<4096xi32, #tpu.memory_space<vmem>>) target_semaphore(%run_scoped3A : memref<!tpu.dma_semaphore, #tpu.memory_space<semaphore_mem>>)
      %dma_wait3A_9 = tpu.memref_slice %arg3[%mul3A_2] : memref<131072xi32, #tpu.memory_space<hbm>> -> memref<4096xi32, #tpu.memory_space<hbm>>
      %dma_wait3A_10 = tpu.memref_slice %arg3[%mul3A_2] : memref<131072xi32, #tpu.memory_space<hbm>> -> memref<4096xi32, #tpu.memory_space<hbm>>
      tpu.wait_dma2 semaphore(%run_scoped3A : memref<!tpu.dma_semaphore, #tpu.memory_space<semaphore_mem>>) src(%dma_wait3A_10 : memref<4096xi32, #tpu.memory_space<hbm>>) dst(%arg5 : memref<4096xi32, #tpu.memory_space<vmem>>)
      tpu.yield
    }) : () -> ()
    %dma_start3A = arith.constant 0 : i32
    %dma_start3A_3 = arith.constant 0 : i32
    %dma_start3A_4 = tpu.memref_slice %arg2[%dma_start3A, %dma_start3A_3] : memref<2048x16xf32, #tpu.memory_space<hbm>> -> memref<2048x16xf32, #tpu.memory_space<hbm>>
    tpu.enqueue_indirect_dma source(%dma_start3A_4 : memref<2048x16xf32, #tpu.memory_space<hbm>>) target(%arg6 : memref<4096x16xf32, #tpu.memory_space<vmem>>) offsets(%arg5 : memref<4096xi32, #tpu.memory_space<vmem>>) semaphore(%arg7 : memref<!tpu.dma_semaphore, #tpu.memory_space<semaphore_mem>>)
    %dma_wait3A = arith.constant 0 : i32
    %dma_wait3A_5 = arith.constant 0 : i32
    %dma_wait3A_6 = tpu.memref_slice %arg2[%dma_wait3A, %dma_wait3A_5] : memref<2048x16xf32, #tpu.memory_space<hbm>> -> memref<2048x16xf32, #tpu.memory_space<hbm>>
    tpu.wait_indirect_dma semaphore(%arg7 : memref<!tpu.dma_semaphore, #tpu.memory_space<semaphore_mem>>) src(%dma_wait3A_6 : memref<2048x16xf32, #tpu.memory_space<hbm>>) dst(%arg6 : memref<4096x16xf32, #tpu.memory_space<vmem>>)
    "tpu.region"() ({
      %run_scoped3A = tpu.sem_alloc : memref<!tpu.dma_semaphore, #tpu.memory_space<semaphore_mem>>
      %dma_start3A_7 = arith.constant 0 : i32
      %dma_start3A_8 = tpu.memref_slice %arg4[%mul3A_2, %dma_start3A_7] : memref<131072x16xf32, #tpu.memory_space<hbm>> -> memref<4096x16xf32, #tpu.memory_space<hbm>>
      %dma_start3A_9 = arith.constant 0 : i32
      %dma_start3A_10 = tpu.memref_slice %arg4[%mul3A_2, %dma_start3A_9] : memref<131072x16xf32, #tpu.memory_space<hbm>> -> memref<4096x16xf32, #tpu.memory_space<hbm>>
      tpu.enqueue_dma source(%arg6 : memref<4096x16xf32, #tpu.memory_space<vmem>>) target(%dma_start3A_10 : memref<4096x16xf32, #tpu.memory_space<hbm>>) target_semaphore(%run_scoped3A : memref<!tpu.dma_semaphore, #tpu.memory_space<semaphore_mem>>)
      %dma_wait3A_11 = arith.constant 0 : i32
      %dma_wait3A_12 = tpu.memref_slice %arg4[%mul3A_2, %dma_wait3A_11] : memref<131072x16xf32, #tpu.memory_space<hbm>> -> memref<4096x16xf32, #tpu.memory_space<hbm>>
      %dma_wait3A_13 = arith.constant 0 : i32
      %dma_wait3A_14 = tpu.memref_slice %arg4[%mul3A_2, %dma_wait3A_13] : memref<131072x16xf32, #tpu.memory_space<hbm>> -> memref<4096x16xf32, #tpu.memory_space<hbm>>
      tpu.wait_dma2 semaphore(%run_scoped3A : memref<!tpu.dma_semaphore, #tpu.memory_space<semaphore_mem>>) src(%arg6 : memref<4096x16xf32, #tpu.memory_space<vmem>>) dst(%dma_wait3A_14 : memref<4096x16xf32, #tpu.memory_space<hbm>>)
      tpu.yield
    }) : () -> ()
    return
  }
}

#map = affine_map<(d0, d1) -> (0, 0)>
#map1 = affine_map<(d0, d1) -> (0)>
#map2 = affine_map<(d0, d1) -> (0, 0, 0)>
module attributes {stable_mosaic.version = 14 : i64} {
  func.func @scatter(%arg0: i32, %arg1: i32, %arg2: memref<65536x16xf32, #tpu.memory_space<hbm>>, %arg3: memref<65536xi32, #tpu.memory_space<hbm>>, %arg4: memref<2048x16xf32, #tpu.memory_space<hbm>>, %arg5: memref<2x2048x16xf32, #tpu.memory_space<hbm>>, %arg6: memref<2048xi32, #tpu.memory_space<vmem>>, %arg7: memref<2048x16xf32, #tpu.memory_space<vmem>>, %arg8: memref<2048x16xf32, #tpu.memory_space<vmem_shared>>, %arg9: memref<!tpu.dma_semaphore, #tpu.memory_space<semaphore_mem>>) attributes {dimension_semantics = [#tpu.dimension_semantics<core_parallel>, #tpu.dimension_semantics<subcore_parallel>], iteration_bounds = array<i64: 2, 16>, scalar_prefetch = 0 : i64, scratch_operands = 4 : i64, tpu.core_type = #tpu.core_type<sc_vector_subcore>, window_params = [{transform_indices = #map}, {transform_indices = #map1}, {transform_indices = #map}, {transform_indices = #map2}]} {
    %mul3A = arith.constant 2 : i32
    %mul3A_0 = arith.muli %arg1, %mul3A : i32
    %add3A = arith.addi %mul3A_0, %arg0 : i32
    %mul3A_1 = arith.constant 2048 : i32
    %mul3A_2 = arith.muli %add3A, %mul3A_1 : i32
    %eq3A = arith.constant 0 : i32
    %eq3A_3 = arith.cmpi eq, %arg1, %eq3A : i32
    %convert_element_type3A = arith.extui %eq3A_3 : i1 to i32
    %cond3A = arith.constant 0 : i32
    %cond3A_4 = arith.cmpi ne, %convert_element_type3A, %cond3A : i32
    scf.if %cond3A_4 {
      "tpu.region"() ({
        %run_scoped3A = tpu.sem_alloc : memref<!tpu.dma_semaphore, #tpu.memory_space<semaphore_mem>>
        tpu.enqueue_dma source(%arg4 : memref<2048x16xf32, #tpu.memory_space<hbm>>) target(%arg8 : memref<2048x16xf32, #tpu.memory_space<vmem_shared>>) target_semaphore(%run_scoped3A : memref<!tpu.dma_semaphore, #tpu.memory_space<semaphore_mem>>)
        tpu.wait_dma2 semaphore(%run_scoped3A : memref<!tpu.dma_semaphore, #tpu.memory_space<semaphore_mem>>) src(%arg4 : memref<2048x16xf32, #tpu.memory_space<hbm>>) dst(%arg8 : memref<2048x16xf32, #tpu.memory_space<vmem_shared>>)
        tpu.yield
      }) : () -> ()
    } else {
    }
    %barrier3A = arith.constant 0 : index
    tpu.barrier barrier_id(%barrier3A)
    "tpu.region"() ({
      %run_scoped3A = tpu.sem_alloc : memref<!tpu.dma_semaphore, #tpu.memory_space<semaphore_mem>>
      %dma_start3A = tpu.memref_slice %arg3[%mul3A_2] : memref<65536xi32, #tpu.memory_space<hbm>> -> memref<2048xi32, #tpu.memory_space<hbm>>
      %dma_start3A_10 = tpu.memref_slice %arg3[%mul3A_2] : memref<65536xi32, #tpu.memory_space<hbm>> -> memref<2048xi32, #tpu.memory_space<hbm>>
      tpu.enqueue_dma source(%dma_start3A_10 : memref<2048xi32, #tpu.memory_space<hbm>>) target(%arg6 : memref<2048xi32, #tpu.memory_space<vmem>>) target_semaphore(%run_scoped3A : memref<!tpu.dma_semaphore, #tpu.memory_space<semaphore_mem>>)
      %dma_wait3A = tpu.memref_slice %arg3[%mul3A_2] : memref<65536xi32, #tpu.memory_space<hbm>> -> memref<2048xi32, #tpu.memory_space<hbm>>
      %dma_wait3A_11 = tpu.memref_slice %arg3[%mul3A_2] : memref<65536xi32, #tpu.memory_space<hbm>> -> memref<2048xi32, #tpu.memory_space<hbm>>
      tpu.wait_dma2 semaphore(%run_scoped3A : memref<!tpu.dma_semaphore, #tpu.memory_space<semaphore_mem>>) src(%dma_wait3A_11 : memref<2048xi32, #tpu.memory_space<hbm>>) dst(%arg6 : memref<2048xi32, #tpu.memory_space<vmem>>)
      tpu.yield
    }) : () -> ()
    "tpu.region"() ({
      %run_scoped3A = tpu.sem_alloc : memref<!tpu.dma_semaphore, #tpu.memory_space<semaphore_mem>>
      %dma_start3A = arith.constant 0 : i32
      %dma_start3A_10 = tpu.memref_slice %arg2[%mul3A_2, %dma_start3A] : memref<65536x16xf32, #tpu.memory_space<hbm>> -> memref<2048x16xf32, #tpu.memory_space<hbm>>
      %dma_start3A_11 = arith.constant 0 : i32
      %dma_start3A_12 = tpu.memref_slice %arg2[%mul3A_2, %dma_start3A_11] : memref<65536x16xf32, #tpu.memory_space<hbm>> -> memref<2048x16xf32, #tpu.memory_space<hbm>>
      tpu.enqueue_dma source(%dma_start3A_12 : memref<2048x16xf32, #tpu.memory_space<hbm>>) target(%arg7 : memref<2048x16xf32, #tpu.memory_space<vmem>>) target_semaphore(%run_scoped3A : memref<!tpu.dma_semaphore, #tpu.memory_space<semaphore_mem>>)
      %dma_wait3A = arith.constant 0 : i32
      %dma_wait3A_13 = tpu.memref_slice %arg2[%mul3A_2, %dma_wait3A] : memref<65536x16xf32, #tpu.memory_space<hbm>> -> memref<2048x16xf32, #tpu.memory_space<hbm>>
      %dma_wait3A_14 = arith.constant 0 : i32
      %dma_wait3A_15 = tpu.memref_slice %arg2[%mul3A_2, %dma_wait3A_14] : memref<65536x16xf32, #tpu.memory_space<hbm>> -> memref<2048x16xf32, #tpu.memory_space<hbm>>
      tpu.wait_dma2 semaphore(%run_scoped3A : memref<!tpu.dma_semaphore, #tpu.memory_space<semaphore_mem>>) src(%dma_wait3A_15 : memref<2048x16xf32, #tpu.memory_space<hbm>>) dst(%arg7 : memref<2048x16xf32, #tpu.memory_space<vmem>>)
      tpu.yield
    }) : () -> ()
    "tpu.region"() ({
      %run_scoped3A = tpu.sem_alloc : memref<!tpu.dma_semaphore, #tpu.memory_space<semaphore_mem>>
      %dma_start3A = arith.constant 0 : i32
      %dma_start3A_10 = arith.constant 0 : i32
      %dma_start3A_11 = tpu.memref_slice %arg8[%dma_start3A, %dma_start3A_10] : memref<2048x16xf32, #tpu.memory_space<vmem_shared>> -> memref<2048x16xf32, #tpu.memory_space<vmem_shared>>
      tpu.enqueue_indirect_dma source(%arg7 : memref<2048x16xf32, #tpu.memory_space<vmem>>) target(%dma_start3A_11 : memref<2048x16xf32, #tpu.memory_space<vmem_shared>>) offsets(%arg6 : memref<2048xi32, #tpu.memory_space<vmem>>) semaphore(%run_scoped3A : memref<!tpu.dma_semaphore, #tpu.memory_space<semaphore_mem>>) {add = true}
      %dma_wait3A = arith.constant 0 : i32
      %dma_wait3A_12 = arith.constant 0 : i32
      %dma_wait3A_13 = tpu.memref_slice %arg8[%dma_wait3A, %dma_wait3A_12] : memref<2048x16xf32, #tpu.memory_space<vmem_shared>> -> memref<2048x16xf32, #tpu.memory_space<vmem_shared>>
      tpu.wait_indirect_dma semaphore(%run_scoped3A : memref<!tpu.dma_semaphore, #tpu.memory_space<semaphore_mem>>) src(%arg7 : memref<2048x16xf32, #tpu.memory_space<vmem>>) dst(%dma_wait3A_13 : memref<2048x16xf32, #tpu.memory_space<vmem_shared>>)
      tpu.yield
    }) : () -> ()
    %barrier3A_5 = arith.constant 0 : index
    tpu.barrier barrier_id(%barrier3A_5)
    %mul3A_6 = arith.constant 128 : i32
    %mul3A_7 = arith.muli %arg1, %mul3A_6 : i32
    %mul3A_8 = arith.constant 128 : i32
    %mul3A_9 = arith.muli %arg1, %mul3A_8 : i32
    "tpu.region"() ({
      %run_scoped3A = tpu.sem_alloc : memref<!tpu.dma_semaphore, #tpu.memory_space<semaphore_mem>>
      %dma_start3A = arith.constant 0 : i32
      %dma_start3A_10 = tpu.memref_slice %arg5[%arg0, %mul3A_9, %dma_start3A] : memref<2x2048x16xf32, #tpu.memory_space<hbm>> -> memref<1x128x16xf32, #tpu.memory_space<hbm>>
      %dma_start3A_11 = tpu.memref_squeeze %dma_start3A_10 : memref<1x128x16xf32, #tpu.memory_space<hbm>> -> memref<128x16xf32, #tpu.memory_space<hbm>>
      %dma_start3A_12 = arith.constant 0 : i32
      %dma_start3A_13 = tpu.memref_slice %arg8[%mul3A_7, %dma_start3A_12] : memref<2048x16xf32, #tpu.memory_space<vmem_shared>> -> memref<128x16xf32, #tpu.memory_space<vmem_shared>>
      tpu.enqueue_dma source(%dma_start3A_13 : memref<128x16xf32, #tpu.memory_space<vmem_shared>>) target(%dma_start3A_11 : memref<128x16xf32, #tpu.memory_space<hbm>>) target_semaphore(%run_scoped3A : memref<!tpu.dma_semaphore, #tpu.memory_space<semaphore_mem>>)
      %dma_wait3A = arith.constant 0 : i32
      %dma_wait3A_14 = tpu.memref_slice %arg5[%arg0, %mul3A_9, %dma_wait3A] : memref<2x2048x16xf32, #tpu.memory_space<hbm>> -> memref<1x128x16xf32, #tpu.memory_space<hbm>>
      %dma_wait3A_15 = tpu.memref_squeeze %dma_wait3A_14 : memref<1x128x16xf32, #tpu.memory_space<hbm>> -> memref<128x16xf32, #tpu.memory_space<hbm>>
      %dma_wait3A_16 = arith.constant 0 : i32
      %dma_wait3A_17 = tpu.memref_slice %arg8[%mul3A_7, %dma_wait3A_16] : memref<2048x16xf32, #tpu.memory_space<vmem_shared>> -> memref<128x16xf32, #tpu.memory_space<vmem_shared>>
      tpu.wait_dma2 semaphore(%run_scoped3A : memref<!tpu.dma_semaphore, #tpu.memory_space<semaphore_mem>>) src(%dma_wait3A_17 : memref<128x16xf32, #tpu.memory_space<vmem_shared>>) dst(%dma_wait3A_15 : memref<128x16xf32, #tpu.memory_space<hbm>>)
      tpu.yield
    }) : () -> ()
    return
  }
}

module attributes {stable_mosaic.version = 14 : i64} {
  func.func @_body(%arg0: i32, %arg1: memref<1x3x512xf32, #tpu.memory_space<vmem>>, %arg2: memref<1x16x3x1024xf32, #tpu.memory_space<vmem>>, %arg3: memref<1x16x3x1024xf32, #tpu.memory_space<vmem>>, %arg4: memref<16x1xf32, #tpu.memory_space<vmem>>, %arg5: memref<3x4096xf32, #tpu.memory_space<vmem>>, %arg6: memref<16x1xf32, #tpu.memory_space<vmem>>, %arg7: memref<256x1xf32, #tpu.memory_space<vmem>>, %arg8: memref<1x256xf32, #tpu.memory_space<vmem>>, %arg9: memref<1x2xf32, #tpu.memory_space<vmem>>, %arg10: memref<2x4xf32, #tpu.memory_space<vmem>>, %arg11: memref<4x8xf32, #tpu.memory_space<vmem>>, %arg12: memref<8x16xf32, #tpu.memory_space<vmem>>, %arg13: memref<16x32xf32, #tpu.memory_space<vmem>>, %arg14: memref<2x1xf32, #tpu.memory_space<vmem>>, %arg15: memref<4x2xf32, #tpu.memory_space<vmem>>, %arg16: memref<8x4xf32, #tpu.memory_space<vmem>>, %arg17: memref<16x8xf32, #tpu.memory_space<vmem>>, %arg18: memref<32x16xf32, #tpu.memory_space<vmem>>, %arg19: memref<2x1xf32, #tpu.memory_space<vmem>>, %arg20: memref<4x1xf32, #tpu.memory_space<vmem>>, %arg21: memref<8x1xf32, #tpu.memory_space<vmem>>, %arg22: memref<16x1xf32, #tpu.memory_space<vmem>>, %arg23: memref<32x1xf32, #tpu.memory_space<vmem>>, %arg24: memref<2x2xf32, #tpu.memory_space<vmem>>, %arg25: memref<2x4xf32, #tpu.memory_space<vmem>>, %arg26: memref<4x8xf32, #tpu.memory_space<vmem>>, %arg27: memref<8x16xf32, #tpu.memory_space<vmem>>, %arg28: memref<16x32xf32, #tpu.memory_space<vmem>>, %arg29: memref<2x2xf32, #tpu.memory_space<vmem>>, %arg30: memref<4x2xf32, #tpu.memory_space<vmem>>, %arg31: memref<8x4xf32, #tpu.memory_space<vmem>>, %arg32: memref<16x8xf32, #tpu.memory_space<vmem>>, %arg33: memref<32x16xf32, #tpu.memory_space<vmem>>, %arg34: memref<2x1xf32, #tpu.memory_space<vmem>>, %arg35: memref<4x1xf32, #tpu.memory_space<vmem>>, %arg36: memref<8x1xf32, #tpu.memory_space<vmem>>, %arg37: memref<16x1xf32, #tpu.memory_space<vmem>>, %arg38: memref<32x1xf32, #tpu.memory_space<vmem>>, %arg39: memref<64x16xf32, #tpu.memory_space<vmem>>, %arg40: memref<16x8xf32, #tpu.memory_space<vmem>>, %arg41: memref<8x4xf32, #tpu.memory_space<vmem>>, %arg42: memref<4x2xf32, #tpu.memory_space<vmem>>, %arg43: memref<2x1xf32, #tpu.memory_space<vmem>>, %arg44: memref<16x64xf32, #tpu.memory_space<vmem>>, %arg45: memref<8x16xf32, #tpu.memory_space<vmem>>, %arg46: memref<4x8xf32, #tpu.memory_space<vmem>>, %arg47: memref<2x4xf32, #tpu.memory_space<vmem>>, %arg48: memref<1x2xf32, #tpu.memory_space<vmem>>, %arg49: memref<16x1xf32, #tpu.memory_space<vmem>>, %arg50: memref<8x1xf32, #tpu.memory_space<vmem>>, %arg51: memref<4x1xf32, #tpu.memory_space<vmem>>, %arg52: memref<2x1xf32, #tpu.memory_space<vmem>>, %arg53: memref<1x1xf32, #tpu.memory_space<vmem>>, %arg54: memref<1x1xf32, #tpu.memory_space<vmem>>, %arg55: memref<1x1xf32, #tpu.memory_space<vmem>>, %arg56: memref<1x2xf32, #tpu.memory_space<vmem>>, %arg57: memref<2x1xf32, #tpu.memory_space<vmem>>, %arg58: memref<1x2xf32, #tpu.memory_space<vmem>>, %arg59: memref<2x1xf32, #tpu.memory_space<vmem>>, %arg60: memref<1x1x1xf32, #tpu.memory_space<vmem>>, %arg61: memref<1x3x512xf32, #tpu.memory_space<vmem>>, %arg62: memref<1x16x3x1024xf32, #tpu.memory_space<vmem>>, %arg63: memref<16x3x1024xf32, #tpu.memory_space<vmem>>, %arg64: memref<16x1x1024xf32, #tpu.memory_space<vmem>>, %arg65: memref<2x16x512xf32, #tpu.memory_space<vmem>>, %arg66: memref<256x512xf32, #tpu.memory_space<vmem>>, %arg67: memref<256x512xf32, #tpu.memory_space<vmem>>) attributes {dimension_semantics = [#tpu.dimension_semantics<arbitrary>], iteration_bounds = array<i64: 4>, scalar_prefetch = 0 : i64, scratch_operands = 5 : i64, tpu.core_type = #tpu.core_type<tc>, window_params = [{transform_indices = @transform_0, window_bounds = array<i64: 1, 3, 512>}, {transform_indices = @transform_1, window_bounds = array<i64: 1, 16, 3, 1024>}, {transform_indices = @transform_2, window_bounds = array<i64: 1, 16, 3, 1024>}, {pipeline_mode = #tpu.pipeline_mode<synchronous>, transform_indices = @transform_3, window_bounds = array<i64: 16, 1>}, {pipeline_mode = #tpu.pipeline_mode<synchronous>, transform_indices = @transform_4, window_bounds = array<i64: 3, 4096>}, {pipeline_mode = #tpu.pipeline_mode<synchronous>, transform_indices = @transform_5, window_bounds = array<i64: 16, 1>}, {pipeline_mode = #tpu.pipeline_mode<synchronous>, transform_indices = @transform_6, window_bounds = array<i64: 256, 1>}, {pipeline_mode = #tpu.pipeline_mode<synchronous>, transform_indices = @transform_7, window_bounds = array<i64: 1, 256>}, {pipeline_mode = #tpu.pipeline_mode<synchronous>, transform_indices = @transform_8, window_bounds = array<i64: 1, 2>}, {pipeline_mode = #tpu.pipeline_mode<synchronous>, transform_indices = @transform_9, window_bounds = array<i64: 2, 4>}, {pipeline_mode = #tpu.pipeline_mode<synchronous>, transform_indices = @transform_10, window_bounds = array<i64: 4, 8>}, {pipeline_mode = #tpu.pipeline_mode<synchronous>, transform_indices = @transform_11, window_bounds = array<i64: 8, 16>}, {pipeline_mode = #tpu.pipeline_mode<synchronous>, transform_indices = @transform_12, window_bounds = array<i64: 16, 32>}, {pipeline_mode = #tpu.pipeline_mode<synchronous>, transform_indices = @transform_13, window_bounds = array<i64: 2, 1>}, {pipeline_mode = #tpu.pipeline_mode<synchronous>, transform_indices = @transform_14, window_bounds = array<i64: 4, 2>}, {pipeline_mode = #tpu.pipeline_mode<synchronous>, transform_indices = @transform_15, window_bounds = array<i64: 8, 4>}, {pipeline_mode = #tpu.pipeline_mode<synchronous>, transform_indices = @transform_16, window_bounds = array<i64: 16, 8>}, {pipeline_mode = #tpu.pipeline_mode<synchronous>, transform_indices = @transform_17, window_bounds = array<i64: 32, 16>}, {pipeline_mode = #tpu.pipeline_mode<synchronous>, transform_indices = @transform_18, window_bounds = array<i64: 2, 1>}, {pipeline_mode = #tpu.pipeline_mode<synchronous>, transform_indices = @transform_19, window_bounds = array<i64: 4, 1>}, {pipeline_mode = #tpu.pipeline_mode<synchronous>, transform_indices = @transform_20, window_bounds = array<i64: 8, 1>}, {pipeline_mode = #tpu.pipeline_mode<synchronous>, transform_indices = @transform_21, window_bounds = array<i64: 16, 1>}, {pipeline_mode = #tpu.pipeline_mode<synchronous>, transform_indices = @transform_22, window_bounds = array<i64: 32, 1>}, {pipeline_mode = #tpu.pipeline_mode<synchronous>, transform_indices = @transform_23, window_bounds = array<i64: 2, 2>}, {pipeline_mode = #tpu.pipeline_mode<synchronous>, transform_indices = @transform_24, window_bounds = array<i64: 2, 4>}, {pipeline_mode = #tpu.pipeline_mode<synchronous>, transform_indices = @transform_25, window_bounds = array<i64: 4, 8>}, {pipeline_mode = #tpu.pipeline_mode<synchronous>, transform_indices = @transform_26, window_bounds = array<i64: 8, 16>}, {pipeline_mode = #tpu.pipeline_mode<synchronous>, transform_indices = @transform_27, window_bounds = array<i64: 16, 32>}, {pipeline_mode = #tpu.pipeline_mode<synchronous>, transform_indices = @transform_28, window_bounds = array<i64: 2, 2>}, {pipeline_mode = #tpu.pipeline_mode<synchronous>, transform_indices = @transform_29, window_bounds = array<i64: 4, 2>}, {pipeline_mode = #tpu.pipeline_mode<synchronous>, transform_indices = @transform_30, window_bounds = array<i64: 8, 4>}, {pipeline_mode = #tpu.pipeline_mode<synchronous>, transform_indices = @transform_31, window_bounds = array<i64: 16, 8>}, {pipeline_mode = #tpu.pipeline_mode<synchronous>, transform_indices = @transform_32, window_bounds = array<i64: 32, 16>}, {pipeline_mode = #tpu.pipeline_mode<synchronous>, transform_indices = @transform_33, window_bounds = array<i64: 2, 1>}, {pipeline_mode = #tpu.pipeline_mode<synchronous>, transform_indices = @transform_34, window_bounds = array<i64: 4, 1>}, {pipeline_mode = #tpu.pipeline_mode<synchronous>, transform_indices = @transform_35, window_bounds = array<i64: 8, 1>}, {pipeline_mode = #tpu.pipeline_mode<synchronous>, transform_indices = @transform_36, window_bounds = array<i64: 16, 1>}, {pipeline_mode = #tpu.pipeline_mode<synchronous>, transform_indices = @transform_37, window_bounds = array<i64: 32, 1>}, {pipeline_mode = #tpu.pipeline_mode<synchronous>, transform_indices = @transform_38, window_bounds = array<i64: 64, 16>}, {pipeline_mode = #tpu.pipeline_mode<synchronous>, transform_indices = @transform_39, window_bounds = array<i64: 16, 8>}, {pipeline_mode = #tpu.pipeline_mode<synchronous>, transform_indices = @transform_40, window_bounds = array<i64: 8, 4>}, {pipeline_mode = #tpu.pipeline_mode<synchronous>, transform_indices = @transform_41, window_bounds = array<i64: 4, 2>}, {pipeline_mode = #tpu.pipeline_mode<synchronous>, transform_indices = @transform_42, window_bounds = array<i64: 2, 1>}, {pipeline_mode = #tpu.pipeline_mode<synchronous>, transform_indices = @transform_43, window_bounds = array<i64: 16, 64>}, {pipeline_mode = #tpu.pipeline_mode<synchronous>, transform_indices = @transform_44, window_bounds = array<i64: 8, 16>}, {pipeline_mode = #tpu.pipeline_mode<synchronous>, transform_indices = @transform_45, window_bounds = array<i64: 4, 8>}, {pipeline_mode = #tpu.pipeline_mode<synchronous>, transform_indices = @transform_46, window_bounds = array<i64: 2, 4>}, {pipeline_mode = #tpu.pipeline_mode<synchronous>, transform_indices = @transform_47, window_bounds = array<i64: 1, 2>}, {pipeline_mode = #tpu.pipeline_mode<synchronous>, transform_indices = @transform_48, window_bounds = array<i64: 16, 1>}, {pipeline_mode = #tpu.pipeline_mode<synchronous>, transform_indices = @transform_49, window_bounds = array<i64: 8, 1>}, {pipeline_mode = #tpu.pipeline_mode<synchronous>, transform_indices = @transform_50, window_bounds = array<i64: 4, 1>}, {pipeline_mode = #tpu.pipeline_mode<synchronous>, transform_indices = @transform_51, window_bounds = array<i64: 2, 1>}, {pipeline_mode = #tpu.pipeline_mode<synchronous>, transform_indices = @transform_52, window_bounds = array<i64: 1, 1>}, {pipeline_mode = #tpu.pipeline_mode<synchronous>, transform_indices = @transform_53, window_bounds = array<i64: 1, 1>}, {pipeline_mode = #tpu.pipeline_mode<synchronous>, transform_indices = @transform_54, window_bounds = array<i64: 1, 1>}, {pipeline_mode = #tpu.pipeline_mode<synchronous>, transform_indices = @transform_55, window_bounds = array<i64: 1, 2>}, {pipeline_mode = #tpu.pipeline_mode<synchronous>, transform_indices = @transform_56, window_bounds = array<i64: 2, 1>}, {pipeline_mode = #tpu.pipeline_mode<synchronous>, transform_indices = @transform_57, window_bounds = array<i64: 1, 2>}, {pipeline_mode = #tpu.pipeline_mode<synchronous>, transform_indices = @transform_58, window_bounds = array<i64: 2, 1>}, {transform_indices = @transform_59, window_bounds = array<i64: 1, 1, 1>}, {transform_indices = @transform_60, window_bounds = array<i64: 1, 3, 512>}, {transform_indices = @transform_61, window_bounds = array<i64: 1, 16, 3, 1024>}]} {
    %get3A = arith.constant 0 : index
    %get3A_0 = arith.constant 0 : index
    %get3A_1 = arith.constant 0 : index
    %get3A_2 = vector.load %arg1[%get3A, %get3A_0, %get3A_1] : memref<1x3x512xf32, #tpu.memory_space<vmem>>, vector<1x3x512xf32>
    %get3A_3 = vector.shape_cast %get3A_2 : vector<1x3x512xf32> to vector<3x512xf32>
    %get3A_4 = arith.constant 0 : index
    %get3A_5 = arith.constant 0 : index
    %get3A_6 = vector.load %arg9[%get3A_4, %get3A_5] : memref<1x2xf32, #tpu.memory_space<vmem>>, vector<1x2xf32>
    %get3A_7 = arith.constant 0 : index
    %get3A_8 = arith.constant 0 : index
    %get3A_9 = vector.load %arg10[%get3A_7, %get3A_8] : memref<2x4xf32, #tpu.memory_space<vmem>>, vector<2x4xf32>
    %get3A_10 = arith.constant 0 : index
    %get3A_11 = arith.constant 0 : index
    %get3A_12 = vector.load %arg11[%get3A_10, %get3A_11] : memref<4x8xf32, #tpu.memory_space<vmem>>, vector<4x8xf32>
    %get3A_13 = arith.constant 0 : index
    %get3A_14 = arith.constant 0 : index
    %get3A_15 = vector.load %arg12[%get3A_13, %get3A_14] : memref<8x16xf32, #tpu.memory_space<vmem>>, vector<8x16xf32>
    %get3A_16 = arith.constant 0 : index
    %get3A_17 = arith.constant 0 : index
    %get3A_18 = vector.load %arg13[%get3A_16, %get3A_17] : memref<16x32xf32, #tpu.memory_space<vmem>>, vector<16x32xf32>
    %get3A_19 = arith.constant 0 : index
    %get3A_20 = arith.constant 0 : index
    %get3A_21 = vector.load %arg14[%get3A_19, %get3A_20] : memref<2x1xf32, #tpu.memory_space<vmem>>, vector<2x1xf32>
    %get3A_22 = arith.constant 0 : index
    %get3A_23 = arith.constant 0 : index
    %get3A_24 = vector.load %arg15[%get3A_22, %get3A_23] : memref<4x2xf32, #tpu.memory_space<vmem>>, vector<4x2xf32>
    %get3A_25 = arith.constant 0 : index
    %get3A_26 = arith.constant 0 : index
    %get3A_27 = vector.load %arg16[%get3A_25, %get3A_26] : memref<8x4xf32, #tpu.memory_space<vmem>>, vector<8x4xf32>
    %get3A_28 = arith.constant 0 : index
    %get3A_29 = arith.constant 0 : index
    %get3A_30 = vector.load %arg17[%get3A_28, %get3A_29] : memref<16x8xf32, #tpu.memory_space<vmem>>, vector<16x8xf32>
    %get3A_31 = arith.constant 0 : index
    %get3A_32 = arith.constant 0 : index
    %get3A_33 = vector.load %arg18[%get3A_31, %get3A_32] : memref<32x16xf32, #tpu.memory_space<vmem>>, vector<32x16xf32>
    %get3A_34 = arith.constant 0 : index
    %get3A_35 = arith.constant 0 : index
    %get3A_36 = vector.load %arg19[%get3A_34, %get3A_35] : memref<2x1xf32, #tpu.memory_space<vmem>>, vector<2x1xf32>
    %get3A_37 = arith.constant 0 : index
    %get3A_38 = arith.constant 0 : index
    %get3A_39 = vector.load %arg20[%get3A_37, %get3A_38] : memref<4x1xf32, #tpu.memory_space<vmem>>, vector<4x1xf32>
    %get3A_40 = arith.constant 0 : index
    %get3A_41 = arith.constant 0 : index
    %get3A_42 = vector.load %arg21[%get3A_40, %get3A_41] : memref<8x1xf32, #tpu.memory_space<vmem>>, vector<8x1xf32>
    %get3A_43 = arith.constant 0 : index
    %get3A_44 = arith.constant 0 : index
    %get3A_45 = vector.load %arg22[%get3A_43, %get3A_44] : memref<16x1xf32, #tpu.memory_space<vmem>>, vector<16x1xf32>
    %get3A_46 = arith.constant 0 : index
    %get3A_47 = arith.constant 0 : index
    %get3A_48 = vector.load %arg23[%get3A_46, %get3A_47] : memref<32x1xf32, #tpu.memory_space<vmem>>, vector<32x1xf32>
    %get3A_49 = arith.constant 0 : index
    %get3A_50 = arith.constant 0 : index
    %get3A_51 = vector.load %arg24[%get3A_49, %get3A_50] : memref<2x2xf32, #tpu.memory_space<vmem>>, vector<2x2xf32>
    %get3A_52 = arith.constant 0 : index
    %get3A_53 = arith.constant 0 : index
    %get3A_54 = vector.load %arg25[%get3A_52, %get3A_53] : memref<2x4xf32, #tpu.memory_space<vmem>>, vector<2x4xf32>
    %get3A_55 = arith.constant 0 : index
    %get3A_56 = arith.constant 0 : index
    %get3A_57 = vector.load %arg26[%get3A_55, %get3A_56] : memref<4x8xf32, #tpu.memory_space<vmem>>, vector<4x8xf32>
    %get3A_58 = arith.constant 0 : index
    %get3A_59 = arith.constant 0 : index
    %get3A_60 = vector.load %arg27[%get3A_58, %get3A_59] : memref<8x16xf32, #tpu.memory_space<vmem>>, vector<8x16xf32>
    %get3A_61 = arith.constant 0 : index
    %get3A_62 = arith.constant 0 : index
    %get3A_63 = vector.load %arg28[%get3A_61, %get3A_62] : memref<16x32xf32, #tpu.memory_space<vmem>>, vector<16x32xf32>
    %get3A_64 = arith.constant 0 : index
    %get3A_65 = arith.constant 0 : index
    %get3A_66 = vector.load %arg29[%get3A_64, %get3A_65] : memref<2x2xf32, #tpu.memory_space<vmem>>, vector<2x2xf32>
    %get3A_67 = arith.constant 0 : index
    %get3A_68 = arith.constant 0 : index
    %get3A_69 = vector.load %arg30[%get3A_67, %get3A_68] : memref<4x2xf32, #tpu.memory_space<vmem>>, vector<4x2xf32>
    %get3A_70 = arith.constant 0 : index
    %get3A_71 = arith.constant 0 : index
    %get3A_72 = vector.load %arg31[%get3A_70, %get3A_71] : memref<8x4xf32, #tpu.memory_space<vmem>>, vector<8x4xf32>
    %get3A_73 = arith.constant 0 : index
    %get3A_74 = arith.constant 0 : index
    %get3A_75 = vector.load %arg32[%get3A_73, %get3A_74] : memref<16x8xf32, #tpu.memory_space<vmem>>, vector<16x8xf32>
    %get3A_76 = arith.constant 0 : index
    %get3A_77 = arith.constant 0 : index
    %get3A_78 = vector.load %arg33[%get3A_76, %get3A_77] : memref<32x16xf32, #tpu.memory_space<vmem>>, vector<32x16xf32>
    %get3A_79 = arith.constant 0 : index
    %get3A_80 = arith.constant 0 : index
    %get3A_81 = vector.load %arg34[%get3A_79, %get3A_80] : memref<2x1xf32, #tpu.memory_space<vmem>>, vector<2x1xf32>
    %get3A_82 = arith.constant 0 : index
    %get3A_83 = arith.constant 0 : index
    %get3A_84 = vector.load %arg35[%get3A_82, %get3A_83] : memref<4x1xf32, #tpu.memory_space<vmem>>, vector<4x1xf32>
    %get3A_85 = arith.constant 0 : index
    %get3A_86 = arith.constant 0 : index
    %get3A_87 = vector.load %arg36[%get3A_85, %get3A_86] : memref<8x1xf32, #tpu.memory_space<vmem>>, vector<8x1xf32>
    %get3A_88 = arith.constant 0 : index
    %get3A_89 = arith.constant 0 : index
    %get3A_90 = vector.load %arg37[%get3A_88, %get3A_89] : memref<16x1xf32, #tpu.memory_space<vmem>>, vector<16x1xf32>
    %get3A_91 = arith.constant 0 : index
    %get3A_92 = arith.constant 0 : index
    %get3A_93 = vector.load %arg38[%get3A_91, %get3A_92] : memref<32x1xf32, #tpu.memory_space<vmem>>, vector<32x1xf32>
    %get3A_94 = arith.constant 0 : index
    %get3A_95 = arith.constant 0 : index
    %get3A_96 = vector.load %arg39[%get3A_94, %get3A_95] : memref<64x16xf32, #tpu.memory_space<vmem>>, vector<64x16xf32>
    %get3A_97 = arith.constant 0 : index
    %get3A_98 = arith.constant 0 : index
    %get3A_99 = vector.load %arg40[%get3A_97, %get3A_98] : memref<16x8xf32, #tpu.memory_space<vmem>>, vector<16x8xf32>
    %get3A_100 = arith.constant 0 : index
    %get3A_101 = arith.constant 0 : index
    %get3A_102 = vector.load %arg41[%get3A_100, %get3A_101] : memref<8x4xf32, #tpu.memory_space<vmem>>, vector<8x4xf32>
    %get3A_103 = arith.constant 0 : index
    %get3A_104 = arith.constant 0 : index
    %get3A_105 = vector.load %arg42[%get3A_103, %get3A_104] : memref<4x2xf32, #tpu.memory_space<vmem>>, vector<4x2xf32>
    %get3A_106 = arith.constant 0 : index
    %get3A_107 = arith.constant 0 : index
    %get3A_108 = vector.load %arg43[%get3A_106, %get3A_107] : memref<2x1xf32, #tpu.memory_space<vmem>>, vector<2x1xf32>
    %get3A_109 = arith.constant 0 : index
    %get3A_110 = arith.constant 0 : index
    %get3A_111 = vector.load %arg44[%get3A_109, %get3A_110] : memref<16x64xf32, #tpu.memory_space<vmem>>, vector<16x64xf32>
    %get3A_112 = arith.constant 0 : index
    %get3A_113 = arith.constant 0 : index
    %get3A_114 = vector.load %arg45[%get3A_112, %get3A_113] : memref<8x16xf32, #tpu.memory_space<vmem>>, vector<8x16xf32>
    %get3A_115 = arith.constant 0 : index
    %get3A_116 = arith.constant 0 : index
    %get3A_117 = vector.load %arg46[%get3A_115, %get3A_116] : memref<4x8xf32, #tpu.memory_space<vmem>>, vector<4x8xf32>
    %get3A_118 = arith.constant 0 : index
    %get3A_119 = arith.constant 0 : index
    %get3A_120 = vector.load %arg47[%get3A_118, %get3A_119] : memref<2x4xf32, #tpu.memory_space<vmem>>, vector<2x4xf32>
    %get3A_121 = arith.constant 0 : index
    %get3A_122 = arith.constant 0 : index
    %get3A_123 = vector.load %arg48[%get3A_121, %get3A_122] : memref<1x2xf32, #tpu.memory_space<vmem>>, vector<1x2xf32>
    %get3A_124 = arith.constant 0 : index
    %get3A_125 = arith.constant 0 : index
    %get3A_126 = vector.load %arg49[%get3A_124, %get3A_125] : memref<16x1xf32, #tpu.memory_space<vmem>>, vector<16x1xf32>
    %get3A_127 = arith.constant 0 : index
    %get3A_128 = arith.constant 0 : index
    %get3A_129 = vector.load %arg50[%get3A_127, %get3A_128] : memref<8x1xf32, #tpu.memory_space<vmem>>, vector<8x1xf32>
    %get3A_130 = arith.constant 0 : index
    %get3A_131 = arith.constant 0 : index
    %get3A_132 = vector.load %arg51[%get3A_130, %get3A_131] : memref<4x1xf32, #tpu.memory_space<vmem>>, vector<4x1xf32>
    %get3A_133 = arith.constant 0 : index
    %get3A_134 = arith.constant 0 : index
    %get3A_135 = vector.load %arg52[%get3A_133, %get3A_134] : memref<2x1xf32, #tpu.memory_space<vmem>>, vector<2x1xf32>
    %get3A_136 = arith.constant 0 : index
    %get3A_137 = arith.constant 0 : index
    %get3A_138 = vector.load %arg53[%get3A_136, %get3A_137] : memref<1x1xf32, #tpu.memory_space<vmem>>, vector<1x1xf32>
    %iota3A = tpu.iota {dimensions = array<i32: 0>} : vector<512x1xi32>
    %broadcast_in_dim3A = arith.constant 0.000000e+00 : f32
    %broadcast_in_dim3A_139 = vector.broadcast %broadcast_in_dim3A : f32 to vector<32x512xf32>
    %scan3A = arith.constant 0 : i32
    %scan3A_140 = arith.constant 16 : i32
    %scan3A_141 = arith.addi %scan3A, %scan3A_140 : i32
    %scan3A_142 = arith.constant 1 : i32
    %scan3A_143 = scf.for %scan3A_501 = %scan3A to %scan3A_141 step %scan3A_142 iter_args(%scan3A_502 = %broadcast_in_dim3A_139) -> (vector<32x512xf32>)  : i32 {
      %get3A_503 = arith.constant 0 : index
      %get3A_504 = arith.index_cast %scan3A_501 : i32 to index
      %get3A_505 = arith.constant 0 : index
      %get3A_506 = arith.constant 0 : index
      %get3A_507 = vector.load %arg2[%get3A_503, %get3A_504, %get3A_505, %get3A_506] : memref<1x16x3x1024xf32, #tpu.memory_space<vmem>>, vector<1x1x3x1024xf32>
      %get3A_508 = vector.shape_cast %get3A_507 : vector<1x1x3x1024xf32> to vector<1x3x1024xf32>
      %reshape3A_509 = vector.shape_cast %get3A_508 : vector<1x3x1024xf32> to vector<3x1024xf32>
      %get3A_510 = arith.constant 0 : index
      %get3A_511 = arith.index_cast %scan3A_501 : i32 to index
      %get3A_512 = arith.constant 0 : index
      %get3A_513 = arith.constant 0 : index
      %get3A_514 = vector.load %arg3[%get3A_510, %get3A_511, %get3A_512, %get3A_513] : memref<1x16x3x1024xf32, #tpu.memory_space<vmem>>, vector<1x1x3x1024xf32>
      %get3A_515 = vector.shape_cast %get3A_514 : vector<1x1x3x1024xf32> to vector<1x3x1024xf32>
      %reshape3A_516 = vector.shape_cast %get3A_515 : vector<1x3x1024xf32> to vector<3x1024xf32>
      %sub3A_517 = arith.subf %reshape3A_509, %reshape3A_516 : vector<3x1024xf32>
      %mul3A_518 = arith.constant 1.000000e-01 : f32
      %mul3A_519 = vector.broadcast %mul3A_518 : f32 to vector<3x1024xf32>
      %mul3A_520 = arith.mulf %sub3A_517, %mul3A_519 : vector<3x1024xf32>
      %round3A = math.roundeven %mul3A_520 : vector<3x1024xf32>
      %mul3A_521 = arith.constant 1.000000e+01 : f32
      %mul3A_522 = vector.broadcast %mul3A_521 : f32 to vector<3x1024xf32>
      %mul3A_523 = arith.mulf %mul3A_522, %round3A : vector<3x1024xf32>
      %sub3A_524 = arith.subf %sub3A_517, %mul3A_523 : vector<3x1024xf32>
      %mul3A_525 = arith.mulf %sub3A_524, %sub3A_524 : vector<3x1024xf32>
      %reduce_sum3A_526 = arith.constant dense<0.000000e+00> : vector<1024xf32>
      %reduce_sum3A_527 = vector.multi_reduction <add>, %mul3A_525, %reduce_sum3A_526 [0] : vector<3x1024xf32> to vector<1024xf32>
      %broadcast_in_dim3A_528 = vector.shape_cast %reduce_sum3A_527 : vector<1024xf32> to vector<1x1024xf32>
      %max3A_529 = arith.constant 9.99999996E-13 : f32
      %max3A_530 = vector.broadcast %max3A_529 : f32 to vector<1x1024xf32>
      %max3A_531 = arith.maximumf %broadcast_in_dim3A_528, %max3A_530 : vector<1x1024xf32>
      %sqrt3A = math.sqrt %max3A_531 : vector<1x1024xf32>
      %div3A_532 = arith.constant 1.000000e+00 : f32
      %div3A_533 = vector.broadcast %div3A_532 : f32 to vector<1x1024xf32>
      %div3A_534 = arith.divf %div3A_533, %sqrt3A : vector<1x1024xf32>
      %reshape3A_535 = vector.shape_cast %sub3A_524 : vector<3x1024xf32> to vector<1x3x1024xf32>
      %swap3A_536 = arith.index_cast %scan3A_501 : i32 to index
      %swap3A_537 = arith.constant 0 : index
      %swap3A_538 = arith.constant 0 : index
      %swap3A_539 = vector.load %arg63[%swap3A_536, %swap3A_537, %swap3A_538] : memref<16x3x1024xf32, #tpu.memory_space<vmem>>, vector<1x3x1024xf32>
      tpu.vector_store %arg63[%swap3A_536, %swap3A_537, %swap3A_538], %reshape3A_535 {strides = array<i32>} : memref<16x3x1024xf32, #tpu.memory_space<vmem>>, vector<1x3x1024xf32>,
      %reshape3A_540 = vector.shape_cast %div3A_534 : vector<1x1024xf32> to vector<1x1x1024xf32>
      %swap3A_541 = arith.index_cast %scan3A_501 : i32 to index
      %swap3A_542 = arith.constant 0 : index
      %swap3A_543 = arith.constant 0 : index
      %swap3A_544 = vector.load %arg64[%swap3A_541, %swap3A_542, %swap3A_543] : memref<16x1x1024xf32, #tpu.memory_space<vmem>>, vector<1x1x1024xf32>
      tpu.vector_store %arg64[%swap3A_541, %swap3A_542, %swap3A_543], %reshape3A_540 {strides = array<i32>} : memref<16x1x1024xf32, #tpu.memory_space<vmem>>, vector<1x1x1024xf32>,
      %dot_general3A_545 = arith.constant dense<0.000000e+00> : vector<2x1024xf32>
      %dot_general3A_546 = tpu.matmul %get3A_21, %div3A_534, %dot_general3A_545 {dimension_numbers = #tpu.dot_dimension_numbers<[1], [0], [0], [1], [0, 0, 1, 1], [], []>, precision = #tpu.contract_precision<fp32>, transpose_lhs_hint = false} : vector<2x1xf32>, vector<1x1024xf32>, vector<2x1024xf32> -> vector<2x1024xf32>
      %add3A_547 = vector.broadcast %get3A_36 : vector<2x1xf32> to vector<2x1024xf32>
      %add3A_548 = arith.addf %dot_general3A_546, %add3A_547 : vector<2x1024xf32>
      %tanh3A_549 = math.tanh %add3A_548 : vector<2x1024xf32>
      %dot_general3A_550 = arith.constant dense<0.000000e+00> : vector<4x1024xf32>
      %dot_general3A_551 = tpu.matmul %get3A_24, %tanh3A_549, %dot_general3A_550 {dimension_numbers = #tpu.dot_dimension_numbers<[1], [0], [0], [1], [0, 0, 1, 1], [], []>, precision = #tpu.contract_precision<fp32>, transpose_lhs_hint = false} : vector<4x2xf32>, vector<2x1024xf32>, vector<4x1024xf32> -> vector<4x1024xf32>
      %add3A_552 = vector.broadcast %get3A_39 : vector<4x1xf32> to vector<4x1024xf32>
      %add3A_553 = arith.addf %dot_general3A_551, %add3A_552 : vector<4x1024xf32>
      %tanh3A_554 = math.tanh %add3A_553 : vector<4x1024xf32>
      %concatenate3A_555 = tpu.concatenate %tanh3A_549, %tanh3A_549 in 0 : vector<2x1024xf32>, vector<2x1024xf32> -> vector<4x1024xf32>
      %add3A_556 = arith.addf %tanh3A_554, %concatenate3A_555 : vector<4x1024xf32>
      %dot_general3A_557 = arith.constant dense<0.000000e+00> : vector<8x1024xf32>
      %dot_general3A_558 = tpu.matmul %get3A_27, %add3A_556, %dot_general3A_557 {dimension_numbers = #tpu.dot_dimension_numbers<[1], [0], [0], [1], [0, 0, 1, 1], [], []>, precision = #tpu.contract_precision<fp32>, transpose_lhs_hint = false} : vector<8x4xf32>, vector<4x1024xf32>, vector<8x1024xf32> -> vector<8x1024xf32>
      %add3A_559 = vector.broadcast %get3A_42 : vector<8x1xf32> to vector<8x1024xf32>
      %add3A_560 = arith.addf %dot_general3A_558, %add3A_559 : vector<8x1024xf32>
      %tanh3A_561 = math.tanh %add3A_560 : vector<8x1024xf32>
      %concatenate3A_562 = tpu.concatenate %add3A_556, %add3A_556 in 0 : vector<4x1024xf32>, vector<4x1024xf32> -> vector<8x1024xf32>
      %add3A_563 = arith.addf %tanh3A_561, %concatenate3A_562 : vector<8x1024xf32>
      %dot_general3A_564 = arith.constant dense<0.000000e+00> : vector<16x1024xf32>
      %dot_general3A_565 = tpu.matmul %get3A_30, %add3A_563, %dot_general3A_564 {dimension_numbers = #tpu.dot_dimension_numbers<[1], [0], [0], [1], [0, 0, 1, 1], [], []>, precision = #tpu.contract_precision<fp32>, transpose_lhs_hint = false} : vector<16x8xf32>, vector<8x1024xf32>, vector<16x1024xf32> -> vector<16x1024xf32>
      %add3A_566 = vector.broadcast %get3A_45 : vector<16x1xf32> to vector<16x1024xf32>
      %add3A_567 = arith.addf %dot_general3A_565, %add3A_566 : vector<16x1024xf32>
      %tanh3A_568 = math.tanh %add3A_567 : vector<16x1024xf32>
      %concatenate3A_569 = tpu.concatenate %add3A_563, %add3A_563 in 0 : vector<8x1024xf32>, vector<8x1024xf32> -> vector<16x1024xf32>
      %add3A_570 = arith.addf %tanh3A_568, %concatenate3A_569 : vector<16x1024xf32>
      %dot_general3A_571 = arith.constant dense<0.000000e+00> : vector<32x1024xf32>
      %dot_general3A_572 = tpu.matmul %get3A_33, %add3A_570, %dot_general3A_571 {dimension_numbers = #tpu.dot_dimension_numbers<[1], [0], [0], [1], [0, 0, 1, 1], [], []>, precision = #tpu.contract_precision<fp32>, transpose_lhs_hint = false} : vector<32x16xf32>, vector<16x1024xf32>, vector<32x1024xf32> -> vector<32x1024xf32>
      %add3A_573 = vector.broadcast %get3A_48 : vector<32x1xf32> to vector<32x1024xf32>
      %add3A_574 = arith.addf %dot_general3A_572, %add3A_573 : vector<32x1024xf32>
      %tanh3A_575 = math.tanh %add3A_574 : vector<32x1024xf32>
      %concatenate3A_576 = tpu.concatenate %add3A_570, %add3A_570 in 0 : vector<16x1024xf32>, vector<16x1024xf32> -> vector<32x1024xf32>
      %add3A_577 = arith.addf %tanh3A_575, %concatenate3A_576 : vector<32x1024xf32>
      %mul3A_578 = vector.broadcast %div3A_534 : vector<1x1024xf32> to vector<32x1024xf32>
      %mul3A_579 = arith.mulf %add3A_577, %mul3A_578 : vector<32x1024xf32>
      %iota3A_580 = tpu.iota {dimensions = array<i32: 0>} : vector<1024x512xi32>
      %mul3A_581 = arith.constant 1024 : i32
      %mul3A_582 = arith.muli %scan3A_501, %mul3A_581 : i32
      %add3A_583 = vector.broadcast %mul3A_582 : i32 to vector<1024x512xi32>
      %add3A_584 = arith.addi %iota3A_580, %add3A_583 : vector<1024x512xi32>
      %jit3A_585 = arith.constant 32 : i32
      %div3A_586 = vector.broadcast %jit3A_585 : i32 to vector<1024x512xi32>
      %div3A_587 = arith.divsi %add3A_584, %div3A_586 : vector<1024x512xi32>
      %sign3A_588 = arith.constant 0 : i32
      %sign3A_589 = vector.broadcast %sign3A_588 : i32 to vector<1024x512xi32>
      %sign3A_590 = arith.cmpi sgt, %add3A_584, %sign3A_589 : vector<1024x512xi32>
      %sign3A_591 = arith.extui %sign3A_590 : vector<1024x512xi1> to vector<1024x512xi32>
      %sign3A_592 = arith.constant 0 : i32
      %sign3A_593 = vector.broadcast %sign3A_592 : i32 to vector<1024x512xi32>
      %sign3A_594 = arith.cmpi slt, %add3A_584, %sign3A_593 : vector<1024x512xi32>
      %sign3A_595 = arith.extui %sign3A_594 : vector<1024x512xi1> to vector<1024x512xi32>
      %sign3A_596 = arith.subi %sign3A_591, %sign3A_595 : vector<1024x512xi32>
      %sign3A_597 = arith.constant 0 : i32
      %sign3A_598 = arith.cmpi sgt, %jit3A_585, %sign3A_597 : i32
      %sign3A_599 = arith.extui %sign3A_598 : i1 to i32
      %sign3A_600 = arith.constant 0 : i32
      %sign3A_601 = arith.cmpi slt, %jit3A_585, %sign3A_600 : i32
      %sign3A_602 = arith.extui %sign3A_601 : i1 to i32
      %sign3A_603 = arith.subi %sign3A_599, %sign3A_602 : i32
      %ne3A_604 = vector.broadcast %sign3A_603 : i32 to vector<1024x512xi32>
      %ne3A_605 = arith.cmpi ne, %sign3A_596, %ne3A_604 : vector<1024x512xi32>
      %rem3A_606 = vector.broadcast %jit3A_585 : i32 to vector<1024x512xi32>
      %rem3A_607 = arith.remsi %add3A_584, %rem3A_606 : vector<1024x512xi32>
      %ne3A_608 = arith.constant 0 : i32
      %ne3A_609 = vector.broadcast %ne3A_608 : i32 to vector<1024x512xi32>
      %ne3A_610 = arith.cmpi ne, %rem3A_607, %ne3A_609 : vector<1024x512xi32>
      %and3A_611 = arith.andi %ne3A_605, %ne3A_610 : vector<1024x512xi1>
      %sub3A_612 = arith.constant 1 : i32
      %sub3A_613 = vector.broadcast %sub3A_612 : i32 to vector<1024x512xi32>
      %sub3A_614 = arith.subi %div3A_587, %sub3A_613 : vector<1024x512xi32>
      %select_n3A_615 = arith.select %and3A_611, %sub3A_614, %div3A_587 : vector<1024x512xi1>, vector<1024x512xi32>
      %iota3A_616 = tpu.iota {dimensions = array<i32: 1>} : vector<1024x512xi32>
      %eq3A_617 = arith.cmpi eq, %select_n3A_615, %iota3A_616 : vector<1024x512xi32>
      %convert_element_type3A_618 = arith.extui %eq3A_617 : vector<1024x512xi1> to vector<1024x512xi32>
      %convert_element_type3A_619 = arith.sitofp %convert_element_type3A_618 : vector<1024x512xi32> to vector<1024x512xf32>
      %dot_general3A_620 = arith.constant dense<0.000000e+00> : vector<32x512xf32>
      %dot_general3A_621 = tpu.matmul %mul3A_579, %convert_element_type3A_619, %dot_general3A_620 {dimension_numbers = #tpu.dot_dimension_numbers<[1], [0], [0], [1], [0, 0, 1, 1], [], []>, precision = #tpu.contract_precision<fp32>, transpose_lhs_hint = false} : vector<32x1024xf32>, vector<1024x512xf32>, vector<32x512xf32> -> vector<32x512xf32>
      %add3A_622 = arith.addf %scan3A_502, %dot_general3A_621 : vector<32x512xf32>
      scf.yield %add3A_622 : vector<32x512xf32>
    }
    %scan3A_144 = arith.constant 16 : i32
    %get3A_145 = arith.constant 0 : index
    %get3A_146 = arith.constant 0 : index
    %get3A_147 = vector.load %arg4[%get3A_145, %get3A_146] : memref<16x1xf32, #tpu.memory_space<vmem>>, vector<16x1xf32>
    %slice3A = vector.extract_strided_slice %get3A_3 {offsets = [0, 0], sizes = [1, 512], strides = [1, 1]} : vector<3x512xf32> to vector<1x512xf32>
    %mul3A = vector.broadcast %get3A_147 : vector<16x1xf32> to vector<16x512xf32>
    %mul3A_148 = vector.broadcast %slice3A : vector<1x512xf32> to vector<16x512xf32>
    %mul3A_149 = arith.mulf %mul3A, %mul3A_148 : vector<16x512xf32>
    %cos3A = math.cos %mul3A_149 : vector<16x512xf32>
    %swap3A = arith.constant 0 : index
    %swap3A_150 = arith.constant 0 : index
    %swap3A_151 = arith.constant 0 : index
    %swap3A_152 = vector.load %arg65[%swap3A, %swap3A_150, %swap3A_151] : memref<2x16x512xf32, #tpu.memory_space<vmem>>, vector<1x16x512xf32>
    %swap3A_153 = vector.shape_cast %swap3A_152 : vector<1x16x512xf32> to vector<16x512xf32>
    %swap3A_154 = vector.shape_cast %cos3A : vector<16x512xf32> to vector<1x16x512xf32>
    tpu.vector_store %arg65[%swap3A, %swap3A_150, %swap3A_151], %swap3A_154 {strides = array<i32>} : memref<2x16x512xf32, #tpu.memory_space<vmem>>, vector<1x16x512xf32>,
    %slice3A_155 = vector.extract_strided_slice %get3A_3 {offsets = [0, 0], sizes = [1, 512], strides = [1, 1]} : vector<3x512xf32> to vector<1x512xf32>
    %mul3A_156 = vector.broadcast %get3A_147 : vector<16x1xf32> to vector<16x512xf32>
    %mul3A_157 = vector.broadcast %slice3A_155 : vector<1x512xf32> to vector<16x512xf32>
    %mul3A_158 = arith.mulf %mul3A_156, %mul3A_157 : vector<16x512xf32>
    %sin3A = math.sin %mul3A_158 : vector<16x512xf32>
    %swap3A_159 = arith.constant 1 : index
    %swap3A_160 = arith.constant 0 : index
    %swap3A_161 = arith.constant 0 : index
    %swap3A_162 = vector.load %arg65[%swap3A_159, %swap3A_160, %swap3A_161] : memref<2x16x512xf32, #tpu.memory_space<vmem>>, vector<1x16x512xf32>
    %swap3A_163 = vector.shape_cast %swap3A_162 : vector<1x16x512xf32> to vector<16x512xf32>
    %swap3A_164 = vector.shape_cast %sin3A : vector<16x512xf32> to vector<1x16x512xf32>
    tpu.vector_store %arg65[%swap3A_159, %swap3A_160, %swap3A_161], %swap3A_164 {strides = array<i32>} : memref<2x16x512xf32, #tpu.memory_space<vmem>>, vector<1x16x512xf32>,
    %slice3A_165 = vector.extract_strided_slice %get3A_3 {offsets = [1, 0], sizes = [1, 512], strides = [1, 1]} : vector<3x512xf32> to vector<1x512xf32>
    %mul3A_166 = vector.broadcast %get3A_147 : vector<16x1xf32> to vector<16x512xf32>
    %mul3A_167 = vector.broadcast %slice3A_165 : vector<1x512xf32> to vector<16x512xf32>
    %mul3A_168 = arith.mulf %mul3A_166, %mul3A_167 : vector<16x512xf32>
    %cos3A_169 = math.cos %mul3A_168 : vector<16x512xf32>
    %slice3A_170 = vector.extract_strided_slice %get3A_3 {offsets = [1, 0], sizes = [1, 512], strides = [1, 1]} : vector<3x512xf32> to vector<1x512xf32>
    %mul3A_171 = vector.broadcast %get3A_147 : vector<16x1xf32> to vector<16x512xf32>
    %mul3A_172 = vector.broadcast %slice3A_170 : vector<1x512xf32> to vector<16x512xf32>
    %mul3A_173 = arith.mulf %mul3A_171, %mul3A_172 : vector<16x512xf32>
    %sin3A_174 = math.sin %mul3A_173 : vector<16x512xf32>
    %slice3A_175 = vector.extract_strided_slice %get3A_3 {offsets = [2, 0], sizes = [1, 512], strides = [1, 1]} : vector<3x512xf32> to vector<1x512xf32>
    %mul3A_176 = vector.broadcast %get3A_147 : vector<16x1xf32> to vector<16x512xf32>
    %mul3A_177 = vector.broadcast %slice3A_175 : vector<1x512xf32> to vector<16x512xf32>
    %mul3A_178 = arith.mulf %mul3A_176, %mul3A_177 : vector<16x512xf32>
    %cos3A_179 = math.cos %mul3A_178 : vector<16x512xf32>
    %slice3A_180 = vector.extract_strided_slice %get3A_3 {offsets = [2, 0], sizes = [1, 512], strides = [1, 1]} : vector<3x512xf32> to vector<1x512xf32>
    %mul3A_181 = vector.broadcast %get3A_147 : vector<16x1xf32> to vector<16x512xf32>
    %mul3A_182 = vector.broadcast %slice3A_180 : vector<1x512xf32> to vector<16x512xf32>
    %mul3A_183 = arith.mulf %mul3A_181, %mul3A_182 : vector<16x512xf32>
    %sin3A_184 = math.sin %mul3A_183 : vector<16x512xf32>
    %iota3A_185 = tpu.iota {dimensions = array<i32: 0>} : vector<256x16xi32>
    %iota3A_186 = tpu.iota {dimensions = array<i32: 1>} : vector<256x16xi32>
    %jit3A = arith.constant 16 : i32
    %div3A = vector.broadcast %jit3A : i32 to vector<256x16xi32>
    %div3A_187 = arith.divsi %iota3A_185, %div3A : vector<256x16xi32>
    %sign3A = arith.constant 0 : i32
    %sign3A_188 = vector.broadcast %sign3A : i32 to vector<256x16xi32>
    %sign3A_189 = arith.cmpi sgt, %iota3A_185, %sign3A_188 : vector<256x16xi32>
    %sign3A_190 = arith.extui %sign3A_189 : vector<256x16xi1> to vector<256x16xi32>
    %sign3A_191 = arith.constant 0 : i32
    %sign3A_192 = vector.broadcast %sign3A_191 : i32 to vector<256x16xi32>
    %sign3A_193 = arith.cmpi slt, %iota3A_185, %sign3A_192 : vector<256x16xi32>
    %sign3A_194 = arith.extui %sign3A_193 : vector<256x16xi1> to vector<256x16xi32>
    %sign3A_195 = arith.subi %sign3A_190, %sign3A_194 : vector<256x16xi32>
    %sign3A_196 = arith.constant 0 : i32
    %sign3A_197 = arith.cmpi sgt, %jit3A, %sign3A_196 : i32
    %sign3A_198 = arith.extui %sign3A_197 : i1 to i32
    %sign3A_199 = arith.constant 0 : i32
    %sign3A_200 = arith.cmpi slt, %jit3A, %sign3A_199 : i32
    %sign3A_201 = arith.extui %sign3A_200 : i1 to i32
    %sign3A_202 = arith.subi %sign3A_198, %sign3A_201 : i32
    %ne3A = vector.broadcast %sign3A_202 : i32 to vector<256x16xi32>
    %ne3A_203 = arith.cmpi ne, %sign3A_195, %ne3A : vector<256x16xi32>
    %rem3A = vector.broadcast %jit3A : i32 to vector<256x16xi32>
    %rem3A_204 = arith.remsi %iota3A_185, %rem3A : vector<256x16xi32>
    %ne3A_205 = arith.constant 0 : i32
    %ne3A_206 = vector.broadcast %ne3A_205 : i32 to vector<256x16xi32>
    %ne3A_207 = arith.cmpi ne, %rem3A_204, %ne3A_206 : vector<256x16xi32>
    %and3A = arith.andi %ne3A_203, %ne3A_207 : vector<256x16xi1>
    %sub3A = arith.constant 1 : i32
    %sub3A_208 = vector.broadcast %sub3A : i32 to vector<256x16xi32>
    %sub3A_209 = arith.subi %div3A_187, %sub3A_208 : vector<256x16xi32>
    %select_n3A = arith.select %and3A, %sub3A_209, %div3A_187 : vector<256x16xi1>, vector<256x16xi32>
    %eq3A = arith.cmpi eq, %select_n3A, %iota3A_186 : vector<256x16xi32>
    %convert_element_type3A = arith.extui %eq3A : vector<256x16xi1> to vector<256x16xi32>
    %convert_element_type3A_210 = arith.sitofp %convert_element_type3A : vector<256x16xi32> to vector<256x16xf32>
    %jit3A_211 = arith.constant 16 : i32
    %eq3A_212 = arith.constant 0 : i32
    %eq3A_213 = arith.cmpi eq, %jit3A_211, %eq3A_212 : i32
    %jit3A_214 = arith.constant 1 : i32
    %select_n3A_215 = arith.select %eq3A_213, %jit3A_214, %jit3A_211 : i32
    %rem3A_216 = vector.broadcast %select_n3A_215 : i32 to vector<256x16xi32>
    %rem3A_217 = arith.remsi %iota3A_185, %rem3A_216 : vector<256x16xi32>
    %ne3A_218 = arith.constant 0 : i32
    %ne3A_219 = vector.broadcast %ne3A_218 : i32 to vector<256x16xi32>
    %ne3A_220 = arith.cmpi ne, %rem3A_217, %ne3A_219 : vector<256x16xi32>
    %lt3A = arith.constant 0 : i32
    %lt3A_221 = vector.broadcast %lt3A : i32 to vector<256x16xi32>
    %lt3A_222 = arith.cmpi slt, %rem3A_217, %lt3A_221 : vector<256x16xi32>
    %lt3A_223 = arith.constant 0 : i32
    %lt3A_224 = arith.cmpi slt, %select_n3A_215, %lt3A_223 : i32
    %ne3A_225 = vector.broadcast %lt3A_224 : i1 to vector<256x16xi1>
    %ne3A_226 = vector.broadcast %ne3A_225 : vector<256x16xi1> to vector<256x16xi1>
    %ne3A_227 = arith.xori %lt3A_222, %ne3A_226 : vector<256x16xi1>
    %and3A_228 = arith.andi %ne3A_227, %ne3A_220 : vector<256x16xi1>
    %add3A = vector.broadcast %select_n3A_215 : i32 to vector<256x16xi32>
    %add3A_229 = arith.addi %rem3A_217, %add3A : vector<256x16xi32>
    %select_n3A_230 = arith.select %and3A_228, %add3A_229, %rem3A_217 : vector<256x16xi1>, vector<256x16xi32>
    %eq3A_231 = arith.cmpi eq, %select_n3A_230, %iota3A_186 : vector<256x16xi32>
    %convert_element_type3A_232 = arith.extui %eq3A_231 : vector<256x16xi1> to vector<256x16xi32>
    %convert_element_type3A_233 = arith.sitofp %convert_element_type3A_232 : vector<256x16xi32> to vector<256x16xf32>
    %dot_general3A = arith.constant dense<0.000000e+00> : vector<256x512xf32>
    %dot_general3A_234 = tpu.matmul %convert_element_type3A_210, %cos3A_169, %dot_general3A {dimension_numbers = #tpu.dot_dimension_numbers<[1], [0], [0], [1], [0, 0, 1, 1], [], []>, precision = #tpu.contract_precision<fp32>, transpose_lhs_hint = false} : vector<256x16xf32>, vector<16x512xf32>, vector<256x512xf32> -> vector<256x512xf32>
    %dot_general3A_235 = arith.constant dense<0.000000e+00> : vector<256x512xf32>
    %dot_general3A_236 = tpu.matmul %convert_element_type3A_210, %sin3A_174, %dot_general3A_235 {dimension_numbers = #tpu.dot_dimension_numbers<[1], [0], [0], [1], [0, 0, 1, 1], [], []>, precision = #tpu.contract_precision<fp32>, transpose_lhs_hint = false} : vector<256x16xf32>, vector<16x512xf32>, vector<256x512xf32> -> vector<256x512xf32>
    %dot_general3A_237 = arith.constant dense<0.000000e+00> : vector<256x512xf32>
    %dot_general3A_238 = tpu.matmul %convert_element_type3A_233, %cos3A_179, %dot_general3A_237 {dimension_numbers = #tpu.dot_dimension_numbers<[1], [0], [0], [1], [0, 0, 1, 1], [], []>, precision = #tpu.contract_precision<fp32>, transpose_lhs_hint = false} : vector<256x16xf32>, vector<16x512xf32>, vector<256x512xf32> -> vector<256x512xf32>
    %dot_general3A_239 = arith.constant dense<0.000000e+00> : vector<256x512xf32>
    %dot_general3A_240 = tpu.matmul %convert_element_type3A_233, %sin3A_184, %dot_general3A_239 {dimension_numbers = #tpu.dot_dimension_numbers<[1], [0], [0], [1], [0, 0, 1, 1], [], []>, precision = #tpu.contract_precision<fp32>, transpose_lhs_hint = false} : vector<256x16xf32>, vector<16x512xf32>, vector<256x512xf32> -> vector<256x512xf32>
    %mul3A_241 = arith.mulf %dot_general3A_234, %dot_general3A_238 : vector<256x512xf32>
    %mul3A_242 = arith.mulf %dot_general3A_236, %dot_general3A_240 : vector<256x512xf32>
    %sub3A_243 = arith.subf %mul3A_241, %mul3A_242 : vector<256x512xf32>
    %swap3A_244 = arith.constant 0 : index
    %swap3A_245 = arith.constant 0 : index
    %swap3A_246 = vector.load %arg66[%swap3A_244, %swap3A_245] : memref<256x512xf32, #tpu.memory_space<vmem>>, vector<256x512xf32>
    tpu.vector_store %arg66[%swap3A_244, %swap3A_245], %sub3A_243 {strides = array<i32>} : memref<256x512xf32, #tpu.memory_space<vmem>>, vector<256x512xf32>,
    %mul3A_247 = arith.mulf %dot_general3A_236, %dot_general3A_238 : vector<256x512xf32>
    %mul3A_248 = arith.mulf %dot_general3A_234, %dot_general3A_240 : vector<256x512xf32>
    %add3A_249 = arith.addf %mul3A_247, %mul3A_248 : vector<256x512xf32>
    %swap3A_250 = arith.constant 0 : index
    %swap3A_251 = arith.constant 0 : index
    %swap3A_252 = vector.load %arg67[%swap3A_250, %swap3A_251] : memref<256x512xf32, #tpu.memory_space<vmem>>, vector<256x512xf32>
    tpu.vector_store %arg67[%swap3A_250, %swap3A_251], %add3A_249 {strides = array<i32>} : memref<256x512xf32, #tpu.memory_space<vmem>>, vector<256x512xf32>,
    %get3A_253 = arith.constant 0 : index
    %get3A_254 = arith.constant 0 : index
    %get3A_255 = vector.load %arg66[%get3A_253, %get3A_254] : memref<256x512xf32, #tpu.memory_space<vmem>>, vector<256x512xf32>
    %get3A_256 = arith.constant 0 : index
    %get3A_257 = arith.constant 0 : index
    %get3A_258 = vector.load %arg67[%get3A_256, %get3A_257] : memref<256x512xf32, #tpu.memory_space<vmem>>, vector<256x512xf32>
    %get3A_259 = arith.constant 0 : index
    %get3A_260 = arith.constant 0 : index
    %get3A_261 = vector.load %arg56[%get3A_259, %get3A_260] : memref<1x2xf32, #tpu.memory_space<vmem>>, vector<1x2xf32>
    %get3A_262 = arith.constant 0 : index
    %get3A_263 = arith.constant 0 : index
    %get3A_264 = vector.load %arg57[%get3A_262, %get3A_263] : memref<2x1xf32, #tpu.memory_space<vmem>>, vector<2x1xf32>
    %get3A_265 = arith.constant 0 : index
    %get3A_266 = arith.constant 0 : index
    %get3A_267 = vector.load %arg58[%get3A_265, %get3A_266] : memref<1x2xf32, #tpu.memory_space<vmem>>, vector<1x2xf32>
    %get3A_268 = arith.constant 0 : index
    %get3A_269 = arith.constant 0 : index
    %get3A_270 = vector.load %arg59[%get3A_268, %get3A_269] : memref<2x1xf32, #tpu.memory_space<vmem>>, vector<2x1xf32>
    %get3A_271 = arith.constant 0 : index
    %get3A_272 = arith.constant 0 : index
    %get3A_273 = vector.load %arg7[%get3A_271, %get3A_272] : memref<256x1xf32, #tpu.memory_space<vmem>>, vector<256x1xf32>
    %get3A_274 = arith.constant 0 : index
    %get3A_275 = arith.constant 0 : index
    %get3A_276 = vector.load %arg8[%get3A_274, %get3A_275] : memref<1x256xf32, #tpu.memory_space<vmem>>, vector<1x256xf32>
    %broadcast_in_dim3A_277 = arith.constant 0.000000e+00 : f32
    %broadcast_in_dim3A_278 = vector.broadcast %broadcast_in_dim3A_277 : f32 to vector<2x512xf32>
    %scan3A_279 = arith.constant 12.566371 : f32
    %scan3A_280 = arith.constant 0 : i32
    %scan3A_281 = arith.constant 16 : i32
    %scan3A_282 = arith.addi %scan3A_280, %scan3A_281 : i32
    %scan3A_283 = arith.constant 1 : i32
    %scan3A_284 = scf.for %scan3A_501 = %scan3A_280 to %scan3A_282 step %scan3A_283 iter_args(%scan3A_502 = %broadcast_in_dim3A_278) -> (vector<2x512xf32>)  : i32 {
      %get3A_503 = arith.constant 0 : index
      %get3A_504 = arith.index_cast %scan3A_501 : i32 to index
      %get3A_505 = arith.constant 0 : index
      %get3A_506 = vector.load %arg65[%get3A_503, %get3A_504, %get3A_505] : memref<2x16x512xf32, #tpu.memory_space<vmem>>, vector<1x1x512xf32>
      %get3A_507 = vector.shape_cast %get3A_506 : vector<1x1x512xf32> to vector<1x512xf32>
      %get3A_508 = arith.constant 1 : index
      %get3A_509 = arith.index_cast %scan3A_501 : i32 to index
      %get3A_510 = arith.constant 0 : index
      %get3A_511 = vector.load %arg65[%get3A_508, %get3A_509, %get3A_510] : memref<2x16x512xf32, #tpu.memory_space<vmem>>, vector<1x1x512xf32>
      %get3A_512 = vector.shape_cast %get3A_511 : vector<1x1x512xf32> to vector<1x512xf32>
      %mul3A_513 = vector.broadcast %get3A_507 : vector<1x512xf32> to vector<256x512xf32>
      %mul3A_514 = arith.mulf %mul3A_513, %get3A_255 : vector<256x512xf32>
      %mul3A_515 = vector.broadcast %get3A_512 : vector<1x512xf32> to vector<256x512xf32>
      %mul3A_516 = arith.mulf %mul3A_515, %get3A_258 : vector<256x512xf32>
      %sub3A_517 = arith.subf %mul3A_514, %mul3A_516 : vector<256x512xf32>
      %mul3A_518 = vector.broadcast %get3A_512 : vector<1x512xf32> to vector<256x512xf32>
      %mul3A_519 = arith.mulf %mul3A_518, %get3A_255 : vector<256x512xf32>
      %mul3A_520 = vector.broadcast %get3A_507 : vector<1x512xf32> to vector<256x512xf32>
      %mul3A_521 = arith.mulf %mul3A_520, %get3A_258 : vector<256x512xf32>
      %add3A_522 = arith.addf %mul3A_519, %mul3A_521 : vector<256x512xf32>
      %reduce_sum3A_523 = arith.constant dense<0.000000e+00> : vector<256xf32>
      %reduce_sum3A_524 = vector.multi_reduction <add>, %sub3A_517, %reduce_sum3A_523 [1] : vector<256x512xf32> to vector<256xf32>
      %broadcast_in_dim3A_525 = vector.shape_cast %reduce_sum3A_524 : vector<256xf32> to vector<256x1xf32>
      %reduce_sum3A_526 = arith.constant dense<0.000000e+00> : vector<256xf32>
      %reduce_sum3A_527 = vector.multi_reduction <add>, %add3A_522, %reduce_sum3A_526 [1] : vector<256x512xf32> to vector<256xf32>
      %broadcast_in_dim3A_528 = vector.shape_cast %reduce_sum3A_527 : vector<256xf32> to vector<256x1xf32>
      %get3A_529 = arith.index_cast %scan3A_501 : i32 to index
      %get3A_530 = arith.constant 0 : index
      %get3A_531 = vector.load %arg6[%get3A_529, %get3A_530] : memref<16x1xf32, #tpu.memory_space<vmem>>, vector<1x1xf32>
      %mul3A_532 = vector.broadcast %scan3A_279 : f32 to vector<2x1xf32>
      %mul3A_533 = arith.mulf %mul3A_532, %get3A_270 : vector<2x1xf32>
      %add3A_534 = vector.broadcast %get3A_531 : vector<1x1xf32> to vector<1x256xf32>
      %add3A_535 = arith.addf %add3A_534, %get3A_276 : vector<1x256xf32>
      %mul3A_536 = arith.mulf %get3A_264, %get3A_264 : vector<2x1xf32>
      %add3A_537 = vector.broadcast %add3A_535 : vector<1x256xf32> to vector<2x256xf32>
      %add3A_538 = vector.broadcast %mul3A_536 : vector<2x1xf32> to vector<2x256xf32>
      %add3A_539 = arith.addf %add3A_537, %add3A_538 : vector<2x256xf32>
      %div3A_540 = vector.broadcast %mul3A_533 : vector<2x1xf32> to vector<2x256xf32>
      %div3A_541 = arith.divf %div3A_540, %add3A_539 : vector<2x256xf32>
      %mul3A_542 = vector.broadcast %broadcast_in_dim3A_525 : vector<256x1xf32> to vector<256x512xf32>
      %mul3A_543 = arith.mulf %sub3A_517, %mul3A_542 : vector<256x512xf32>
      %mul3A_544 = vector.broadcast %broadcast_in_dim3A_528 : vector<256x1xf32> to vector<256x512xf32>
      %mul3A_545 = arith.mulf %add3A_522, %mul3A_544 : vector<256x512xf32>
      %add3A_546 = arith.addf %mul3A_543, %mul3A_545 : vector<256x512xf32>
      %dot_general3A_547 = arith.constant dense<0.000000e+00> : vector<2x512xf32>
      %dot_general3A_548 = tpu.matmul %div3A_541, %add3A_546, %dot_general3A_547 {dimension_numbers = #tpu.dot_dimension_numbers<[1], [0], [0], [1], [0, 0, 1, 1], [], []>, precision = #tpu.contract_precision<fp32>, transpose_lhs_hint = false} : vector<2x256xf32>, vector<256x512xf32>, vector<2x512xf32> -> vector<2x512xf32>
      %add3A_549 = arith.addf %scan3A_502, %dot_general3A_548 : vector<2x512xf32>
      scf.yield %add3A_549 : vector<2x512xf32>
    }
    %scan3A_285 = arith.constant 16 : i32
    %mul3A_286 = arith.constant 2.44140625E-4 : f32
    %mul3A_287 = vector.broadcast %mul3A_286 : f32 to vector<2x512xf32>
    %mul3A_288 = arith.mulf %scan3A_284, %mul3A_287 : vector<2x512xf32>
    %dot_general3A_289 = arith.constant dense<0.000000e+00> : vector<2x512xf32>
    %dot_general3A_290 = tpu.matmul %get3A_66, %mul3A_288, %dot_general3A_289 {dimension_numbers = #tpu.dot_dimension_numbers<[1], [0], [0], [1], [0, 0, 1, 1], [], []>, precision = #tpu.contract_precision<fp32>, transpose_lhs_hint = false} : vector<2x2xf32>, vector<2x512xf32>, vector<2x512xf32> -> vector<2x512xf32>
    %add3A_291 = vector.broadcast %get3A_81 : vector<2x1xf32> to vector<2x512xf32>
    %add3A_292 = arith.addf %dot_general3A_290, %add3A_291 : vector<2x512xf32>
    %max3A = arith.constant 0.000000e+00 : f32
    %max3A_293 = vector.broadcast %max3A : f32 to vector<2x512xf32>
    %max3A_294 = arith.maximumf %add3A_292, %max3A_293 : vector<2x512xf32>
    %dot_general3A_295 = arith.constant dense<0.000000e+00> : vector<4x512xf32>
    %dot_general3A_296 = tpu.matmul %get3A_69, %max3A_294, %dot_general3A_295 {dimension_numbers = #tpu.dot_dimension_numbers<[1], [0], [0], [1], [0, 0, 1, 1], [], []>, precision = #tpu.contract_precision<fp32>, transpose_lhs_hint = false} : vector<4x2xf32>, vector<2x512xf32>, vector<4x512xf32> -> vector<4x512xf32>
    %add3A_297 = vector.broadcast %get3A_84 : vector<4x1xf32> to vector<4x512xf32>
    %add3A_298 = arith.addf %dot_general3A_296, %add3A_297 : vector<4x512xf32>
    %max3A_299 = arith.constant 0.000000e+00 : f32
    %max3A_300 = vector.broadcast %max3A_299 : f32 to vector<4x512xf32>
    %max3A_301 = arith.maximumf %add3A_298, %max3A_300 : vector<4x512xf32>
    %concatenate3A = tpu.concatenate %max3A_294, %max3A_294 in 0 : vector<2x512xf32>, vector<2x512xf32> -> vector<4x512xf32>
    %add3A_302 = arith.addf %max3A_301, %concatenate3A : vector<4x512xf32>
    %dot_general3A_303 = arith.constant dense<0.000000e+00> : vector<8x512xf32>
    %dot_general3A_304 = tpu.matmul %get3A_72, %add3A_302, %dot_general3A_303 {dimension_numbers = #tpu.dot_dimension_numbers<[1], [0], [0], [1], [0, 0, 1, 1], [], []>, precision = #tpu.contract_precision<fp32>, transpose_lhs_hint = false} : vector<8x4xf32>, vector<4x512xf32>, vector<8x512xf32> -> vector<8x512xf32>
    %add3A_305 = vector.broadcast %get3A_87 : vector<8x1xf32> to vector<8x512xf32>
    %add3A_306 = arith.addf %dot_general3A_304, %add3A_305 : vector<8x512xf32>
    %max3A_307 = arith.constant 0.000000e+00 : f32
    %max3A_308 = vector.broadcast %max3A_307 : f32 to vector<8x512xf32>
    %max3A_309 = arith.maximumf %add3A_306, %max3A_308 : vector<8x512xf32>
    %concatenate3A_310 = tpu.concatenate %add3A_302, %add3A_302 in 0 : vector<4x512xf32>, vector<4x512xf32> -> vector<8x512xf32>
    %add3A_311 = arith.addf %max3A_309, %concatenate3A_310 : vector<8x512xf32>
    %dot_general3A_312 = arith.constant dense<0.000000e+00> : vector<16x512xf32>
    %dot_general3A_313 = tpu.matmul %get3A_75, %add3A_311, %dot_general3A_312 {dimension_numbers = #tpu.dot_dimension_numbers<[1], [0], [0], [1], [0, 0, 1, 1], [], []>, precision = #tpu.contract_precision<fp32>, transpose_lhs_hint = false} : vector<16x8xf32>, vector<8x512xf32>, vector<16x512xf32> -> vector<16x512xf32>
    %add3A_314 = vector.broadcast %get3A_90 : vector<16x1xf32> to vector<16x512xf32>
    %add3A_315 = arith.addf %dot_general3A_313, %add3A_314 : vector<16x512xf32>
    %max3A_316 = arith.constant 0.000000e+00 : f32
    %max3A_317 = vector.broadcast %max3A_316 : f32 to vector<16x512xf32>
    %max3A_318 = arith.maximumf %add3A_315, %max3A_317 : vector<16x512xf32>
    %concatenate3A_319 = tpu.concatenate %add3A_311, %add3A_311 in 0 : vector<8x512xf32>, vector<8x512xf32> -> vector<16x512xf32>
    %add3A_320 = arith.addf %max3A_318, %concatenate3A_319 : vector<16x512xf32>
    %dot_general3A_321 = arith.constant dense<0.000000e+00> : vector<32x512xf32>
    %dot_general3A_322 = tpu.matmul %get3A_78, %add3A_320, %dot_general3A_321 {dimension_numbers = #tpu.dot_dimension_numbers<[1], [0], [0], [1], [0, 0, 1, 1], [], []>, precision = #tpu.contract_precision<fp32>, transpose_lhs_hint = false} : vector<32x16xf32>, vector<16x512xf32>, vector<32x512xf32> -> vector<32x512xf32>
    %add3A_323 = vector.broadcast %get3A_93 : vector<32x1xf32> to vector<32x512xf32>
    %add3A_324 = arith.addf %dot_general3A_322, %add3A_323 : vector<32x512xf32>
    %max3A_325 = arith.constant 0.000000e+00 : f32
    %max3A_326 = vector.broadcast %max3A_325 : f32 to vector<32x512xf32>
    %max3A_327 = arith.maximumf %add3A_324, %max3A_326 : vector<32x512xf32>
    %concatenate3A_328 = tpu.concatenate %add3A_320, %add3A_320 in 0 : vector<16x512xf32>, vector<16x512xf32> -> vector<32x512xf32>
    %add3A_329 = arith.addf %max3A_327, %concatenate3A_328 : vector<32x512xf32>
    %concatenate3A_330 = tpu.concatenate %scan3A_143, %add3A_329 in 0 : vector<32x512xf32>, vector<32x512xf32> -> vector<64x512xf32>
    %dot_general3A_331 = arith.constant dense<0.000000e+00> : vector<16x512xf32>
    %dot_general3A_332 = tpu.matmul %get3A_111, %concatenate3A_330, %dot_general3A_331 {dimension_numbers = #tpu.dot_dimension_numbers<[1], [0], [0], [1], [0, 0, 1, 1], [], []>, precision = #tpu.contract_precision<fp32>, transpose_lhs_hint = false} : vector<16x64xf32>, vector<64x512xf32>, vector<16x512xf32> -> vector<16x512xf32>
    %add3A_333 = vector.broadcast %get3A_126 : vector<16x1xf32> to vector<16x512xf32>
    %add3A_334 = arith.addf %dot_general3A_332, %add3A_333 : vector<16x512xf32>
    %tanh3A = math.tanh %add3A_334 : vector<16x512xf32>
    %dot_general3A_335 = arith.constant dense<0.000000e+00> : vector<8x512xf32>
    %dot_general3A_336 = tpu.matmul %get3A_114, %tanh3A, %dot_general3A_335 {dimension_numbers = #tpu.dot_dimension_numbers<[1], [0], [0], [1], [0, 0, 1, 1], [], []>, precision = #tpu.contract_precision<fp32>, transpose_lhs_hint = false} : vector<8x16xf32>, vector<16x512xf32>, vector<8x512xf32> -> vector<8x512xf32>
    %add3A_337 = vector.broadcast %get3A_129 : vector<8x1xf32> to vector<8x512xf32>
    %add3A_338 = arith.addf %dot_general3A_336, %add3A_337 : vector<8x512xf32>
    %tanh3A_339 = math.tanh %add3A_338 : vector<8x512xf32>
    %dot_general3A_340 = arith.constant dense<0.000000e+00> : vector<4x512xf32>
    %dot_general3A_341 = tpu.matmul %get3A_117, %tanh3A_339, %dot_general3A_340 {dimension_numbers = #tpu.dot_dimension_numbers<[1], [0], [0], [1], [0, 0, 1, 1], [], []>, precision = #tpu.contract_precision<fp32>, transpose_lhs_hint = false} : vector<4x8xf32>, vector<8x512xf32>, vector<4x512xf32> -> vector<4x512xf32>
    %add3A_342 = vector.broadcast %get3A_132 : vector<4x1xf32> to vector<4x512xf32>
    %add3A_343 = arith.addf %dot_general3A_341, %add3A_342 : vector<4x512xf32>
    %tanh3A_344 = math.tanh %add3A_343 : vector<4x512xf32>
    %dot_general3A_345 = arith.constant dense<0.000000e+00> : vector<2x512xf32>
    %dot_general3A_346 = tpu.matmul %get3A_120, %tanh3A_344, %dot_general3A_345 {dimension_numbers = #tpu.dot_dimension_numbers<[1], [0], [0], [1], [0, 0, 1, 1], [], []>, precision = #tpu.contract_precision<fp32>, transpose_lhs_hint = false} : vector<2x4xf32>, vector<4x512xf32>, vector<2x512xf32> -> vector<2x512xf32>
    %add3A_347 = vector.broadcast %get3A_135 : vector<2x1xf32> to vector<2x512xf32>
    %add3A_348 = arith.addf %dot_general3A_346, %add3A_347 : vector<2x512xf32>
    %tanh3A_349 = math.tanh %add3A_348 : vector<2x512xf32>
    %dot_general3A_350 = arith.constant dense<0.000000e+00> : vector<1x512xf32>
    %dot_general3A_351 = tpu.matmul %get3A_123, %tanh3A_349, %dot_general3A_350 {dimension_numbers = #tpu.dot_dimension_numbers<[1], [0], [0], [1], [0, 0, 1, 1], [], []>, precision = #tpu.contract_precision<fp32>, transpose_lhs_hint = false} : vector<1x2xf32>, vector<2x512xf32>, vector<1x512xf32> -> vector<1x512xf32>
    %add3A_352 = vector.broadcast %get3A_138 : vector<1x1xf32> to vector<1x512xf32>
    %add3A_353 = arith.addf %dot_general3A_351, %add3A_352 : vector<1x512xf32>
    %tanh3A_354 = math.tanh %add3A_353 : vector<1x512xf32>
    %get3A_355 = arith.constant 0 : index
    %get3A_356 = arith.constant 0 : index
    %get3A_357 = vector.load %arg54[%get3A_355, %get3A_356] : memref<1x1xf32, #tpu.memory_space<vmem>>, vector<1x1xf32>
    %mul3A_358 = vector.broadcast %get3A_357 : vector<1x1xf32> to vector<1x512xf32>
    %mul3A_359 = arith.mulf %mul3A_358, %tanh3A_354 : vector<1x512xf32>
    %get3A_360 = arith.constant 0 : index
    %get3A_361 = arith.constant 0 : index
    %get3A_362 = vector.load %arg55[%get3A_360, %get3A_361] : memref<1x1xf32, #tpu.memory_space<vmem>>, vector<1x1xf32>
    %add3A_363 = vector.broadcast %get3A_362 : vector<1x1xf32> to vector<1x512xf32>
    %add3A_364 = arith.addf %mul3A_359, %add3A_363 : vector<1x512xf32>
    %reduce_sum3A = vector.shape_cast %add3A_364 : vector<1x512xf32> to vector<1x1x512xf32>
    %reduce_sum3A_365 = arith.constant dense<0.000000e+00> : vector<1xf32>
    %reduce_sum3A_366 = vector.multi_reduction <add>, %reduce_sum3A, %reduce_sum3A_365 [1, 2] : vector<1x1x512xf32> to vector<1xf32>
    %reduce_sum3A_367 = vector.shape_cast %reduce_sum3A_366 : vector<1xf32> to vector<1x1x1xf32>
    %reduce_sum3A_368 = vector.extract %reduce_sum3A_367[0, 0, 0] : f32 from vector<1x1x1xf32>
    %reshape3A = vector.broadcast %reduce_sum3A_368 : f32 to vector<1x1x1xf32>
    %swap3A_369 = arith.constant 0 : index
    %swap3A_370 = arith.constant 0 : index
    %swap3A_371 = arith.constant 0 : index
    %swap3A_372 = vector.load %arg60[%swap3A_369, %swap3A_370, %swap3A_371] : memref<1x1x1xf32, #tpu.memory_space<vmem>>, vector<1x1x1xf32>
    tpu.vector_store %arg60[%swap3A_369, %swap3A_370, %swap3A_371], %reshape3A {strides = array<i32>} : memref<1x1x1xf32, #tpu.memory_space<vmem>>, vector<1x1x1xf32>,
    %broadcast_in_dim3A_373 = arith.constant 1.000000e+00 : f32
    %broadcast_in_dim3A_374 = vector.broadcast %broadcast_in_dim3A_373 : f32 to vector<1x512xf32>
    %get3A_375 = arith.constant 0 : index
    %get3A_376 = arith.constant 0 : index
    %get3A_377 = vector.load %arg54[%get3A_375, %get3A_376] : memref<1x1xf32, #tpu.memory_space<vmem>>, vector<1x1xf32>
    %mul3A_378 = vector.broadcast %get3A_377 : vector<1x1xf32> to vector<1x512xf32>
    %mul3A_379 = arith.mulf %broadcast_in_dim3A_374, %mul3A_378 : vector<1x512xf32>
    %mul3A_380 = arith.mulf %tanh3A_354, %tanh3A_354 : vector<1x512xf32>
    %sub3A_381 = arith.constant 1.000000e+00 : f32
    %sub3A_382 = vector.broadcast %sub3A_381 : f32 to vector<1x512xf32>
    %sub3A_383 = arith.subf %sub3A_382, %mul3A_380 : vector<1x512xf32>
    %mul3A_384 = arith.mulf %mul3A_379, %sub3A_383 : vector<1x512xf32>
    %dot_general3A_385 = arith.constant dense<0.000000e+00> : vector<2x512xf32>
    %dot_general3A_386 = tpu.matmul %get3A_108, %mul3A_384, %dot_general3A_385 {dimension_numbers = #tpu.dot_dimension_numbers<[1], [0], [0], [1], [0, 0, 1, 1], [], []>, precision = #tpu.contract_precision<fp32>, transpose_lhs_hint = false} : vector<2x1xf32>, vector<1x512xf32>, vector<2x512xf32> -> vector<2x512xf32>
    %mul3A_387 = arith.mulf %tanh3A_349, %tanh3A_349 : vector<2x512xf32>
    %sub3A_388 = arith.constant 1.000000e+00 : f32
    %sub3A_389 = vector.broadcast %sub3A_388 : f32 to vector<2x512xf32>
    %sub3A_390 = arith.subf %sub3A_389, %mul3A_387 : vector<2x512xf32>
    %mul3A_391 = arith.mulf %dot_general3A_386, %sub3A_390 : vector<2x512xf32>
    %dot_general3A_392 = arith.constant dense<0.000000e+00> : vector<4x512xf32>
    %dot_general3A_393 = tpu.matmul %get3A_105, %mul3A_391, %dot_general3A_392 {dimension_numbers = #tpu.dot_dimension_numbers<[1], [0], [0], [1], [0, 0, 1, 1], [], []>, precision = #tpu.contract_precision<fp32>, transpose_lhs_hint = false} : vector<4x2xf32>, vector<2x512xf32>, vector<4x512xf32> -> vector<4x512xf32>
    %mul3A_394 = arith.mulf %tanh3A_344, %tanh3A_344 : vector<4x512xf32>
    %sub3A_395 = arith.constant 1.000000e+00 : f32
    %sub3A_396 = vector.broadcast %sub3A_395 : f32 to vector<4x512xf32>
    %sub3A_397 = arith.subf %sub3A_396, %mul3A_394 : vector<4x512xf32>
    %mul3A_398 = arith.mulf %dot_general3A_393, %sub3A_397 : vector<4x512xf32>
    %dot_general3A_399 = arith.constant dense<0.000000e+00> : vector<8x512xf32>
    %dot_general3A_400 = tpu.matmul %get3A_102, %mul3A_398, %dot_general3A_399 {dimension_numbers = #tpu.dot_dimension_numbers<[1], [0], [0], [1], [0, 0, 1, 1], [], []>, precision = #tpu.contract_precision<fp32>, transpose_lhs_hint = false} : vector<8x4xf32>, vector<4x512xf32>, vector<8x512xf32> -> vector<8x512xf32>
    %mul3A_401 = arith.mulf %tanh3A_339, %tanh3A_339 : vector<8x512xf32>
    %sub3A_402 = arith.constant 1.000000e+00 : f32
    %sub3A_403 = vector.broadcast %sub3A_402 : f32 to vector<8x512xf32>
    %sub3A_404 = arith.subf %sub3A_403, %mul3A_401 : vector<8x512xf32>
    %mul3A_405 = arith.mulf %dot_general3A_400, %sub3A_404 : vector<8x512xf32>
    %dot_general3A_406 = arith.constant dense<0.000000e+00> : vector<16x512xf32>
    %dot_general3A_407 = tpu.matmul %get3A_99, %mul3A_405, %dot_general3A_406 {dimension_numbers = #tpu.dot_dimension_numbers<[1], [0], [0], [1], [0, 0, 1, 1], [], []>, precision = #tpu.contract_precision<fp32>, transpose_lhs_hint = false} : vector<16x8xf32>, vector<8x512xf32>, vector<16x512xf32> -> vector<16x512xf32>
    %mul3A_408 = arith.mulf %tanh3A, %tanh3A : vector<16x512xf32>
    %sub3A_409 = arith.constant 1.000000e+00 : f32
    %sub3A_410 = vector.broadcast %sub3A_409 : f32 to vector<16x512xf32>
    %sub3A_411 = arith.subf %sub3A_410, %mul3A_408 : vector<16x512xf32>
    %mul3A_412 = arith.mulf %dot_general3A_407, %sub3A_411 : vector<16x512xf32>
    %dot_general3A_413 = arith.constant dense<0.000000e+00> : vector<64x512xf32>
    %dot_general3A_414 = tpu.matmul %get3A_96, %mul3A_412, %dot_general3A_413 {dimension_numbers = #tpu.dot_dimension_numbers<[1], [0], [0], [1], [0, 0, 1, 1], [], []>, precision = #tpu.contract_precision<fp32>, transpose_lhs_hint = false} : vector<64x16xf32>, vector<16x512xf32>, vector<64x512xf32> -> vector<64x512xf32>
    %slice3A_415 = vector.extract_strided_slice %dot_general3A_414 {offsets = [0, 0], sizes = [32, 512], strides = [1, 1]} : vector<64x512xf32> to vector<32x512xf32>
    %slice3A_416 = vector.extract_strided_slice %dot_general3A_414 {offsets = [32, 0], sizes = [32, 512], strides = [1, 1]} : vector<64x512xf32> to vector<32x512xf32>
    %gt3A = arith.constant 0.000000e+00 : f32
    %gt3A_417 = vector.broadcast %gt3A : f32 to vector<32x512xf32>
    %gt3A_418 = arith.cmpf ogt, %max3A_327, %gt3A_417 : vector<32x512xf32>
    %jit3A_419 = arith.constant 0.000000e+00 : f32
    %broadcast_in_dim3A_420 = vector.broadcast %jit3A_419 : f32 to vector<32x512xf32>
    %select_n3A_421 = arith.select %gt3A_418, %slice3A_416, %broadcast_in_dim3A_420 : vector<32x512xi1>, vector<32x512xf32>
    %dot_general3A_422 = arith.constant dense<0.000000e+00> : vector<16x512xf32>
    %dot_general3A_423 = tpu.matmul %get3A_63, %select_n3A_421, %dot_general3A_422 {dimension_numbers = #tpu.dot_dimension_numbers<[1], [0], [0], [1], [0, 0, 1, 1], [], []>, precision = #tpu.contract_precision<fp32>, transpose_lhs_hint = false} : vector<16x32xf32>, vector<32x512xf32>, vector<16x512xf32> -> vector<16x512xf32>
    %slice3A_424 = vector.extract_strided_slice %slice3A_416 {offsets = [0, 0], sizes = [16, 512], strides = [1, 1]} : vector<32x512xf32> to vector<16x512xf32>
    %add3A_425 = arith.addf %dot_general3A_423, %slice3A_424 : vector<16x512xf32>
    %slice3A_426 = vector.extract_strided_slice %slice3A_416 {offsets = [16, 0], sizes = [16, 512], strides = [1, 1]} : vector<32x512xf32> to vector<16x512xf32>
    %add3A_427 = arith.addf %add3A_425, %slice3A_426 : vector<16x512xf32>
    %gt3A_428 = arith.constant 0.000000e+00 : f32
    %gt3A_429 = vector.broadcast %gt3A_428 : f32 to vector<16x512xf32>
    %gt3A_430 = arith.cmpf ogt, %max3A_318, %gt3A_429 : vector<16x512xf32>
    %jit3A_431 = arith.constant 0.000000e+00 : f32
    %broadcast_in_dim3A_432 = vector.broadcast %jit3A_431 : f32 to vector<16x512xf32>
    %select_n3A_433 = arith.select %gt3A_430, %add3A_427, %broadcast_in_dim3A_432 : vector<16x512xi1>, vector<16x512xf32>
    %dot_general3A_434 = arith.constant dense<0.000000e+00> : vector<8x512xf32>
    %dot_general3A_435 = tpu.matmul %get3A_60, %select_n3A_433, %dot_general3A_434 {dimension_numbers = #tpu.dot_dimension_numbers<[1], [0], [0], [1], [0, 0, 1, 1], [], []>, precision = #tpu.contract_precision<fp32>, transpose_lhs_hint = false} : vector<8x16xf32>, vector<16x512xf32>, vector<8x512xf32> -> vector<8x512xf32>
    %slice3A_436 = vector.extract_strided_slice %add3A_427 {offsets = [0, 0], sizes = [8, 512], strides = [1, 1]} : vector<16x512xf32> to vector<8x512xf32>
    %add3A_437 = arith.addf %dot_general3A_435, %slice3A_436 : vector<8x512xf32>
    %slice3A_438 = vector.extract_strided_slice %add3A_427 {offsets = [8, 0], sizes = [8, 512], strides = [1, 1]} : vector<16x512xf32> to vector<8x512xf32>
    %add3A_439 = arith.addf %add3A_437, %slice3A_438 : vector<8x512xf32>
    %gt3A_440 = arith.constant 0.000000e+00 : f32
    %gt3A_441 = vector.broadcast %gt3A_440 : f32 to vector<8x512xf32>
    %gt3A_442 = arith.cmpf ogt, %max3A_309, %gt3A_441 : vector<8x512xf32>
    %jit3A_443 = arith.constant 0.000000e+00 : f32
    %broadcast_in_dim3A_444 = vector.broadcast %jit3A_443 : f32 to vector<8x512xf32>
    %select_n3A_445 = arith.select %gt3A_442, %add3A_439, %broadcast_in_dim3A_444 : vector<8x512xi1>, vector<8x512xf32>
    %dot_general3A_446 = arith.constant dense<0.000000e+00> : vector<4x512xf32>
    %dot_general3A_447 = tpu.matmul %get3A_57, %select_n3A_445, %dot_general3A_446 {dimension_numbers = #tpu.dot_dimension_numbers<[1], [0], [0], [1], [0, 0, 1, 1], [], []>, precision = #tpu.contract_precision<fp32>, transpose_lhs_hint = false} : vector<4x8xf32>, vector<8x512xf32>, vector<4x512xf32> -> vector<4x512xf32>
    %slice3A_448 = vector.extract_strided_slice %add3A_439 {offsets = [0, 0], sizes = [4, 512], strides = [1, 1]} : vector<8x512xf32> to vector<4x512xf32>
    %add3A_449 = arith.addf %dot_general3A_447, %slice3A_448 : vector<4x512xf32>
    %slice3A_450 = vector.extract_strided_slice %add3A_439 {offsets = [4, 0], sizes = [4, 512], strides = [1, 1]} : vector<8x512xf32> to vector<4x512xf32>
    %add3A_451 = arith.addf %add3A_449, %slice3A_450 : vector<4x512xf32>
    %gt3A_452 = arith.constant 0.000000e+00 : f32
    %gt3A_453 = vector.broadcast %gt3A_452 : f32 to vector<4x512xf32>
    %gt3A_454 = arith.cmpf ogt, %max3A_301, %gt3A_453 : vector<4x512xf32>
    %jit3A_455 = arith.constant 0.000000e+00 : f32
    %broadcast_in_dim3A_456 = vector.broadcast %jit3A_455 : f32 to vector<4x512xf32>
    %select_n3A_457 = arith.select %gt3A_454, %add3A_451, %broadcast_in_dim3A_456 : vector<4x512xi1>, vector<4x512xf32>
    %dot_general3A_458 = arith.constant dense<0.000000e+00> : vector<2x512xf32>
    %dot_general3A_459 = tpu.matmul %get3A_54, %select_n3A_457, %dot_general3A_458 {dimension_numbers = #tpu.dot_dimension_numbers<[1], [0], [0], [1], [0, 0, 1, 1], [], []>, precision = #tpu.contract_precision<fp32>, transpose_lhs_hint = false} : vector<2x4xf32>, vector<4x512xf32>, vector<2x512xf32> -> vector<2x512xf32>
    %slice3A_460 = vector.extract_strided_slice %add3A_451 {offsets = [0, 0], sizes = [2, 512], strides = [1, 1]} : vector<4x512xf32> to vector<2x512xf32>
    %add3A_461 = arith.addf %dot_general3A_459, %slice3A_460 : vector<2x512xf32>
    %slice3A_462 = vector.extract_strided_slice %add3A_451 {offsets = [2, 0], sizes = [2, 512], strides = [1, 1]} : vector<4x512xf32> to vector<2x512xf32>
    %add3A_463 = arith.addf %add3A_461, %slice3A_462 : vector<2x512xf32>
    %gt3A_464 = arith.constant 0.000000e+00 : f32
    %gt3A_465 = vector.broadcast %gt3A_464 : f32 to vector<2x512xf32>
    %gt3A_466 = arith.cmpf ogt, %max3A_294, %gt3A_465 : vector<2x512xf32>
    %jit3A_467 = arith.constant 0.000000e+00 : f32
    %broadcast_in_dim3A_468 = vector.broadcast %jit3A_467 : f32 to vector<2x512xf32>
    %select_n3A_469 = arith.select %gt3A_466, %add3A_463, %broadcast_in_dim3A_468 : vector<2x512xi1>, vector<2x512xf32>
    %dot_general3A_470 = arith.constant dense<0.000000e+00> : vector<2x512xf32>
    %dot_general3A_471 = tpu.matmul %get3A_51, %select_n3A_469, %dot_general3A_470 {dimension_numbers = #tpu.dot_dimension_numbers<[1], [0], [0], [1], [0, 0, 1, 1], [], []>, precision = #tpu.contract_precision<fp32>, transpose_lhs_hint = false} : vector<2x2xf32>, vector<2x512xf32>, vector<2x512xf32> -> vector<2x512xf32>
    %broadcast_in_dim3A_472 = arith.constant 0.000000e+00 : f32
    %broadcast_in_dim3A_473 = vector.broadcast %broadcast_in_dim3A_472 : f32 to vector<3x512xf32>
    %scan3A_474 = arith.constant 12.566371 : f32
    %scan3A_475 = arith.constant 0 : i32
    %scan3A_476 = arith.constant 16 : i32
    %scan3A_477 = arith.addi %scan3A_475, %scan3A_476 : i32
    %scan3A_478 = arith.constant 1 : i32
    %scan3A_479 = scf.for %scan3A_501 = %scan3A_475 to %scan3A_477 step %scan3A_478 iter_args(%scan3A_502 = %broadcast_in_dim3A_473) -> (vector<3x512xf32>)  : i32 {
      %get3A_503 = arith.constant 0 : index
      %get3A_504 = arith.index_cast %scan3A_501 : i32 to index
      %get3A_505 = arith.constant 0 : index
      %get3A_506 = vector.load %arg65[%get3A_503, %get3A_504, %get3A_505] : memref<2x16x512xf32, #tpu.memory_space<vmem>>, vector<1x1x512xf32>
      %get3A_507 = vector.shape_cast %get3A_506 : vector<1x1x512xf32> to vector<1x512xf32>
      %get3A_508 = arith.constant 1 : index
      %get3A_509 = arith.index_cast %scan3A_501 : i32 to index
      %get3A_510 = arith.constant 0 : index
      %get3A_511 = vector.load %arg65[%get3A_508, %get3A_509, %get3A_510] : memref<2x16x512xf32, #tpu.memory_space<vmem>>, vector<1x1x512xf32>
      %get3A_512 = vector.shape_cast %get3A_511 : vector<1x1x512xf32> to vector<1x512xf32>
      %mul3A_513 = vector.broadcast %get3A_507 : vector<1x512xf32> to vector<256x512xf32>
      %mul3A_514 = arith.mulf %mul3A_513, %get3A_255 : vector<256x512xf32>
      %mul3A_515 = vector.broadcast %get3A_512 : vector<1x512xf32> to vector<256x512xf32>
      %mul3A_516 = arith.mulf %mul3A_515, %get3A_258 : vector<256x512xf32>
      %sub3A_517 = arith.subf %mul3A_514, %mul3A_516 : vector<256x512xf32>
      %mul3A_518 = vector.broadcast %get3A_512 : vector<1x512xf32> to vector<256x512xf32>
      %mul3A_519 = arith.mulf %mul3A_518, %get3A_255 : vector<256x512xf32>
      %mul3A_520 = vector.broadcast %get3A_507 : vector<1x512xf32> to vector<256x512xf32>
      %mul3A_521 = arith.mulf %mul3A_520, %get3A_258 : vector<256x512xf32>
      %add3A_522 = arith.addf %mul3A_519, %mul3A_521 : vector<256x512xf32>
      %reduce_sum3A_523 = arith.constant dense<0.000000e+00> : vector<256xf32>
      %reduce_sum3A_524 = vector.multi_reduction <add>, %sub3A_517, %reduce_sum3A_523 [1] : vector<256x512xf32> to vector<256xf32>
      %broadcast_in_dim3A_525 = vector.shape_cast %reduce_sum3A_524 : vector<256xf32> to vector<256x1xf32>
      %reduce_sum3A_526 = arith.constant dense<0.000000e+00> : vector<256xf32>
      %reduce_sum3A_527 = vector.multi_reduction <add>, %add3A_522, %reduce_sum3A_526 [1] : vector<256x512xf32> to vector<256xf32>
      %broadcast_in_dim3A_528 = vector.shape_cast %reduce_sum3A_527 : vector<256xf32> to vector<256x1xf32>
      %get3A_529 = arith.index_cast %scan3A_501 : i32 to index
      %get3A_530 = arith.constant 0 : index
      %get3A_531 = vector.load %arg6[%get3A_529, %get3A_530] : memref<16x1xf32, #tpu.memory_space<vmem>>, vector<1x1xf32>
      %mul3A_532 = vector.broadcast %scan3A_474 : f32 to vector<1x2xf32>
      %mul3A_533 = arith.mulf %mul3A_532, %get3A_267 : vector<1x2xf32>
      %add3A_534 = vector.broadcast %get3A_531 : vector<1x1xf32> to vector<256x1xf32>
      %add3A_535 = arith.addf %add3A_534, %get3A_273 : vector<256x1xf32>
      %mul3A_536 = arith.mulf %get3A_261, %get3A_261 : vector<1x2xf32>
      %add3A_537 = vector.broadcast %add3A_535 : vector<256x1xf32> to vector<256x2xf32>
      %add3A_538 = vector.broadcast %mul3A_536 : vector<1x2xf32> to vector<256x2xf32>
      %add3A_539 = arith.addf %add3A_537, %add3A_538 : vector<256x2xf32>
      %div3A_540 = vector.broadcast %mul3A_533 : vector<1x2xf32> to vector<256x2xf32>
      %div3A_541 = arith.divf %div3A_540, %add3A_539 : vector<256x2xf32>
      %dot_general3A_542 = arith.constant dense<0.000000e+00> : vector<256x512xf32>
      %dot_general3A_543 = tpu.matmul %div3A_541, %dot_general3A_471, %dot_general3A_542 {dimension_numbers = #tpu.dot_dimension_numbers<[1], [0], [0], [1], [0, 0, 1, 1], [], []>, precision = #tpu.contract_precision<fp32>, transpose_lhs_hint = false} : vector<256x2xf32>, vector<2x512xf32>, vector<256x512xf32> -> vector<256x512xf32>
      %mul3A_544 = arith.mulf %dot_general3A_543, %sub3A_517 : vector<256x512xf32>
      %mul3A_545 = arith.mulf %dot_general3A_543, %add3A_522 : vector<256x512xf32>
      %reduce_sum3A_546 = arith.constant dense<0.000000e+00> : vector<256xf32>
      %reduce_sum3A_547 = vector.multi_reduction <add>, %mul3A_544, %reduce_sum3A_546 [1] : vector<256x512xf32> to vector<256xf32>
      %broadcast_in_dim3A_548 = vector.shape_cast %reduce_sum3A_547 : vector<256xf32> to vector<256x1xf32>
      %reduce_sum3A_549 = arith.constant dense<0.000000e+00> : vector<256xf32>
      %reduce_sum3A_550 = vector.multi_reduction <add>, %mul3A_545, %reduce_sum3A_549 [1] : vector<256x512xf32> to vector<256xf32>
      %broadcast_in_dim3A_551 = vector.shape_cast %reduce_sum3A_550 : vector<256xf32> to vector<256x1xf32>
      %mul3A_552 = vector.broadcast %broadcast_in_dim3A_551 : vector<256x1xf32> to vector<256x512xf32>
      %mul3A_553 = arith.mulf %sub3A_517, %mul3A_552 : vector<256x512xf32>
      %mul3A_554 = vector.broadcast %broadcast_in_dim3A_548 : vector<256x1xf32> to vector<256x512xf32>
      %mul3A_555 = arith.mulf %add3A_522, %mul3A_554 : vector<256x512xf32>
      %sub3A_556 = arith.subf %mul3A_553, %mul3A_555 : vector<256x512xf32>
      %mul3A_557 = vector.broadcast %broadcast_in_dim3A_528 : vector<256x1xf32> to vector<256x512xf32>
      %mul3A_558 = arith.mulf %mul3A_544, %mul3A_557 : vector<256x512xf32>
      %add3A_559 = arith.addf %sub3A_556, %mul3A_558 : vector<256x512xf32>
      %mul3A_560 = vector.broadcast %broadcast_in_dim3A_525 : vector<256x1xf32> to vector<256x512xf32>
      %mul3A_561 = arith.mulf %mul3A_545, %mul3A_560 : vector<256x512xf32>
      %sub3A_562 = arith.subf %add3A_559, %mul3A_561 : vector<256x512xf32>
      %mul3A_563 = arith.constant 256 : i32
      %mul3A_564 = arith.muli %scan3A_501, %mul3A_563 : i32
      %get3A_565 = arith.constant 0 : index
      %get3A_566 = arith.index_cast %mul3A_564 : i32 to index
      %get3A_567 = vector.load %arg5[%get3A_565, %get3A_566] : memref<3x4096xf32, #tpu.memory_space<vmem>>, vector<3x256xf32>
      %dot_general3A_568 = arith.constant dense<0.000000e+00> : vector<3x512xf32>
      %dot_general3A_569 = tpu.matmul %get3A_567, %sub3A_562, %dot_general3A_568 {dimension_numbers = #tpu.dot_dimension_numbers<[1], [0], [0], [1], [0, 0, 1, 1], [], []>, precision = #tpu.contract_precision<fp32>, transpose_lhs_hint = false} : vector<3x256xf32>, vector<256x512xf32>, vector<3x512xf32> -> vector<3x512xf32>
      %add3A_570 = arith.addf %scan3A_502, %dot_general3A_569 : vector<3x512xf32>
      scf.yield %add3A_570 : vector<3x512xf32>
    }
    %scan3A_480 = arith.constant 16 : i32
    %mul3A_481 = arith.constant 2.44140625E-4 : f32
    %mul3A_482 = vector.broadcast %mul3A_481 : f32 to vector<3x512xf32>
    %mul3A_483 = arith.mulf %scan3A_479, %mul3A_482 : vector<3x512xf32>
    %broadcast_in_dim3A_484 = arith.constant 0.000000e+00 : f32
    %broadcast_in_dim3A_485 = vector.broadcast %broadcast_in_dim3A_484 : f32 to vector<3x512xf32>
    %scan3A_486 = arith.constant 0 : i32
    %scan3A_487 = arith.constant 16 : i32
    %scan3A_488 = arith.addi %scan3A_486, %scan3A_487 : i32
    %scan3A_489 = arith.constant 1 : i32
    %scan3A_490 = scf.for %scan3A_501 = %scan3A_486 to %scan3A_488 step %scan3A_489 iter_args(%scan3A_502 = %broadcast_in_dim3A_485) -> (vector<3x512xf32>)  : i32 {
      %get3A_503 = arith.index_cast %scan3A_501 : i32 to index
      %get3A_504 = arith.constant 0 : index
      %get3A_505 = arith.constant 0 : index
      %get3A_506 = vector.load %arg64[%get3A_503, %get3A_504, %get3A_505] : memref<16x1x1024xf32, #tpu.memory_space<vmem>>, vector<1x1x1024xf32>
      %reshape3A_507 = vector.shape_cast %get3A_506 : vector<1x1x1024xf32> to vector<1x1024xf32>
      %get3A_508 = arith.index_cast %scan3A_501 : i32 to index
      %get3A_509 = arith.constant 0 : index
      %get3A_510 = arith.constant 0 : index
      %get3A_511 = vector.load %arg63[%get3A_508, %get3A_509, %get3A_510] : memref<16x3x1024xf32, #tpu.memory_space<vmem>>, vector<1x3x1024xf32>
      %reshape3A_512 = vector.shape_cast %get3A_511 : vector<1x3x1024xf32> to vector<3x1024xf32>
      %dot_general3A_513 = arith.constant dense<0.000000e+00> : vector<2x1024xf32>
      %dot_general3A_514 = tpu.matmul %get3A_21, %reshape3A_507, %dot_general3A_513 {dimension_numbers = #tpu.dot_dimension_numbers<[1], [0], [0], [1], [0, 0, 1, 1], [], []>, precision = #tpu.contract_precision<fp32>, transpose_lhs_hint = false} : vector<2x1xf32>, vector<1x1024xf32>, vector<2x1024xf32> -> vector<2x1024xf32>
      %add3A_515 = vector.broadcast %get3A_36 : vector<2x1xf32> to vector<2x1024xf32>
      %add3A_516 = arith.addf %dot_general3A_514, %add3A_515 : vector<2x1024xf32>
      %tanh3A_517 = math.tanh %add3A_516 : vector<2x1024xf32>
      %dot_general3A_518 = arith.constant dense<0.000000e+00> : vector<4x1024xf32>
      %dot_general3A_519 = tpu.matmul %get3A_24, %tanh3A_517, %dot_general3A_518 {dimension_numbers = #tpu.dot_dimension_numbers<[1], [0], [0], [1], [0, 0, 1, 1], [], []>, precision = #tpu.contract_precision<fp32>, transpose_lhs_hint = false} : vector<4x2xf32>, vector<2x1024xf32>, vector<4x1024xf32> -> vector<4x1024xf32>
      %add3A_520 = vector.broadcast %get3A_39 : vector<4x1xf32> to vector<4x1024xf32>
      %add3A_521 = arith.addf %dot_general3A_519, %add3A_520 : vector<4x1024xf32>
      %tanh3A_522 = math.tanh %add3A_521 : vector<4x1024xf32>
      %concatenate3A_523 = tpu.concatenate %tanh3A_517, %tanh3A_517 in 0 : vector<2x1024xf32>, vector<2x1024xf32> -> vector<4x1024xf32>
      %add3A_524 = arith.addf %tanh3A_522, %concatenate3A_523 : vector<4x1024xf32>
      %dot_general3A_525 = arith.constant dense<0.000000e+00> : vector<8x1024xf32>
      %dot_general3A_526 = tpu.matmul %get3A_27, %add3A_524, %dot_general3A_525 {dimension_numbers = #tpu.dot_dimension_numbers<[1], [0], [0], [1], [0, 0, 1, 1], [], []>, precision = #tpu.contract_precision<fp32>, transpose_lhs_hint = false} : vector<8x4xf32>, vector<4x1024xf32>, vector<8x1024xf32> -> vector<8x1024xf32>
      %add3A_527 = vector.broadcast %get3A_42 : vector<8x1xf32> to vector<8x1024xf32>
      %add3A_528 = arith.addf %dot_general3A_526, %add3A_527 : vector<8x1024xf32>
      %tanh3A_529 = math.tanh %add3A_528 : vector<8x1024xf32>
      %concatenate3A_530 = tpu.concatenate %add3A_524, %add3A_524 in 0 : vector<4x1024xf32>, vector<4x1024xf32> -> vector<8x1024xf32>
      %add3A_531 = arith.addf %tanh3A_529, %concatenate3A_530 : vector<8x1024xf32>
      %dot_general3A_532 = arith.constant dense<0.000000e+00> : vector<16x1024xf32>
      %dot_general3A_533 = tpu.matmul %get3A_30, %add3A_531, %dot_general3A_532 {dimension_numbers = #tpu.dot_dimension_numbers<[1], [0], [0], [1], [0, 0, 1, 1], [], []>, precision = #tpu.contract_precision<fp32>, transpose_lhs_hint = false} : vector<16x8xf32>, vector<8x1024xf32>, vector<16x1024xf32> -> vector<16x1024xf32>
      %add3A_534 = vector.broadcast %get3A_45 : vector<16x1xf32> to vector<16x1024xf32>
      %add3A_535 = arith.addf %dot_general3A_533, %add3A_534 : vector<16x1024xf32>
      %tanh3A_536 = math.tanh %add3A_535 : vector<16x1024xf32>
      %concatenate3A_537 = tpu.concatenate %add3A_531, %add3A_531 in 0 : vector<8x1024xf32>, vector<8x1024xf32> -> vector<16x1024xf32>
      %add3A_538 = arith.addf %tanh3A_536, %concatenate3A_537 : vector<16x1024xf32>
      %dot_general3A_539 = arith.constant dense<0.000000e+00> : vector<32x1024xf32>
      %dot_general3A_540 = tpu.matmul %get3A_33, %add3A_538, %dot_general3A_539 {dimension_numbers = #tpu.dot_dimension_numbers<[1], [0], [0], [1], [0, 0, 1, 1], [], []>, precision = #tpu.contract_precision<fp32>, transpose_lhs_hint = false} : vector<32x16xf32>, vector<16x1024xf32>, vector<32x1024xf32> -> vector<32x1024xf32>
      %add3A_541 = vector.broadcast %get3A_48 : vector<32x1xf32> to vector<32x1024xf32>
      %add3A_542 = arith.addf %dot_general3A_540, %add3A_541 : vector<32x1024xf32>
      %tanh3A_543 = math.tanh %add3A_542 : vector<32x1024xf32>
      %concatenate3A_544 = tpu.concatenate %add3A_538, %add3A_538 in 0 : vector<16x1024xf32>, vector<16x1024xf32> -> vector<32x1024xf32>
      %add3A_545 = arith.addf %tanh3A_543, %concatenate3A_544 : vector<32x1024xf32>
      %iota3A_546 = tpu.iota {dimensions = array<i32: 1>} : vector<1x1024xi32>
      %mul3A_547 = arith.constant 1024 : i32
      %mul3A_548 = arith.muli %scan3A_501, %mul3A_547 : i32
      %add3A_549 = vector.broadcast %mul3A_548 : i32 to vector<1x1024xi32>
      %add3A_550 = arith.addi %iota3A_546, %add3A_549 : vector<1x1024xi32>
      %iota3A_551 = tpu.iota {dimensions = array<i32: 0>} : vector<512x1024xi32>
      %iota3A_552 = tpu.iota {dimensions = array<i32: 1>} : vector<512x1024xi32>
      %mul3A_553 = arith.constant 1024 : i32
      %mul3A_554 = arith.muli %scan3A_501, %mul3A_553 : i32
      %add3A_555 = vector.broadcast %mul3A_554 : i32 to vector<512x1024xi32>
      %add3A_556 = arith.addi %iota3A_552, %add3A_555 : vector<512x1024xi32>
      %jit3A_557 = arith.constant 32 : i32
      %div3A_558 = vector.broadcast %jit3A_557 : i32 to vector<512x1024xi32>
      %div3A_559 = arith.divsi %add3A_556, %div3A_558 : vector<512x1024xi32>
      %sign3A_560 = arith.constant 0 : i32
      %sign3A_561 = vector.broadcast %sign3A_560 : i32 to vector<512x1024xi32>
      %sign3A_562 = arith.cmpi sgt, %add3A_556, %sign3A_561 : vector<512x1024xi32>
      %sign3A_563 = arith.extui %sign3A_562 : vector<512x1024xi1> to vector<512x1024xi32>
      %sign3A_564 = arith.constant 0 : i32
      %sign3A_565 = vector.broadcast %sign3A_564 : i32 to vector<512x1024xi32>
      %sign3A_566 = arith.cmpi slt, %add3A_556, %sign3A_565 : vector<512x1024xi32>
      %sign3A_567 = arith.extui %sign3A_566 : vector<512x1024xi1> to vector<512x1024xi32>
      %sign3A_568 = arith.subi %sign3A_563, %sign3A_567 : vector<512x1024xi32>
      %sign3A_569 = arith.constant 0 : i32
      %sign3A_570 = arith.cmpi sgt, %jit3A_557, %sign3A_569 : i32
      %sign3A_571 = arith.extui %sign3A_570 : i1 to i32
      %sign3A_572 = arith.constant 0 : i32
      %sign3A_573 = arith.cmpi slt, %jit3A_557, %sign3A_572 : i32
      %sign3A_574 = arith.extui %sign3A_573 : i1 to i32
      %sign3A_575 = arith.subi %sign3A_571, %sign3A_574 : i32
      %ne3A_576 = vector.broadcast %sign3A_575 : i32 to vector<512x1024xi32>
      %ne3A_577 = arith.cmpi ne, %sign3A_568, %ne3A_576 : vector<512x1024xi32>
      %rem3A_578 = vector.broadcast %jit3A_557 : i32 to vector<512x1024xi32>
      %rem3A_579 = arith.remsi %add3A_556, %rem3A_578 : vector<512x1024xi32>
      %ne3A_580 = arith.constant 0 : i32
      %ne3A_581 = vector.broadcast %ne3A_580 : i32 to vector<512x1024xi32>
      %ne3A_582 = arith.cmpi ne, %rem3A_579, %ne3A_581 : vector<512x1024xi32>
      %and3A_583 = arith.andi %ne3A_577, %ne3A_582 : vector<512x1024xi1>
      %sub3A_584 = arith.constant 1 : i32
      %sub3A_585 = vector.broadcast %sub3A_584 : i32 to vector<512x1024xi32>
      %sub3A_586 = arith.subi %div3A_559, %sub3A_585 : vector<512x1024xi32>
      %select_n3A_587 = arith.select %and3A_583, %sub3A_586, %div3A_559 : vector<512x1024xi1>, vector<512x1024xi32>
      %eq3A_588 = arith.cmpi eq, %iota3A_551, %select_n3A_587 : vector<512x1024xi32>
      %convert_element_type3A_589 = arith.extui %eq3A_588 : vector<512x1024xi1> to vector<512x1024xi32>
      %convert_element_type3A_590 = arith.sitofp %convert_element_type3A_589 : vector<512x1024xi32> to vector<512x1024xf32>
      %dot_general3A_591 = arith.constant dense<0.000000e+00> : vector<32x1024xf32>
      %dot_general3A_592 = tpu.matmul %slice3A_415, %convert_element_type3A_590, %dot_general3A_591 {dimension_numbers = #tpu.dot_dimension_numbers<[1], [0], [0], [1], [0, 0, 1, 1], [], []>, precision = #tpu.contract_precision<fp32>, transpose_lhs_hint = false} : vector<32x512xf32>, vector<512x1024xf32>, vector<32x1024xf32> -> vector<32x1024xf32>
      %mul3A_593 = arith.mulf %dot_general3A_592, %add3A_545 : vector<32x1024xf32>
      %reduce_sum3A_594 = arith.constant dense<0.000000e+00> : vector<1024xf32>
      %reduce_sum3A_595 = vector.multi_reduction <add>, %mul3A_593, %reduce_sum3A_594 [0] : vector<32x1024xf32> to vector<1024xf32>
      %broadcast_in_dim3A_596 = vector.shape_cast %reduce_sum3A_595 : vector<1024xf32> to vector<1x1024xf32>
      %mul3A_597 = vector.broadcast %reshape3A_507 : vector<1x1024xf32> to vector<32x1024xf32>
      %mul3A_598 = arith.mulf %dot_general3A_592, %mul3A_597 : vector<32x1024xf32>
      %mul3A_599 = arith.mulf %tanh3A_543, %tanh3A_543 : vector<32x1024xf32>
      %sub3A_600 = arith.constant 1.000000e+00 : f32
      %sub3A_601 = vector.broadcast %sub3A_600 : f32 to vector<32x1024xf32>
      %sub3A_602 = arith.subf %sub3A_601, %mul3A_599 : vector<32x1024xf32>
      %mul3A_603 = arith.mulf %mul3A_598, %sub3A_602 : vector<32x1024xf32>
      %dot_general3A_604 = arith.constant dense<0.000000e+00> : vector<16x1024xf32>
      %dot_general3A_605 = tpu.matmul %get3A_18, %mul3A_603, %dot_general3A_604 {dimension_numbers = #tpu.dot_dimension_numbers<[1], [0], [0], [1], [0, 0, 1, 1], [], []>, precision = #tpu.contract_precision<fp32>, transpose_lhs_hint = false} : vector<16x32xf32>, vector<32x1024xf32>, vector<16x1024xf32> -> vector<16x1024xf32>
      %slice3A_606 = vector.extract_strided_slice %mul3A_598 {offsets = [0, 0], sizes = [16, 1024], strides = [1, 1]} : vector<32x1024xf32> to vector<16x1024xf32>
      %add3A_607 = arith.addf %dot_general3A_605, %slice3A_606 : vector<16x1024xf32>
      %slice3A_608 = vector.extract_strided_slice %mul3A_598 {offsets = [16, 0], sizes = [16, 1024], strides = [1, 1]} : vector<32x1024xf32> to vector<16x1024xf32>
      %add3A_609 = arith.addf %add3A_607, %slice3A_608 : vector<16x1024xf32>
      %mul3A_610 = arith.mulf %tanh3A_536, %tanh3A_536 : vector<16x1024xf32>
      %sub3A_611 = arith.constant 1.000000e+00 : f32
      %sub3A_612 = vector.broadcast %sub3A_611 : f32 to vector<16x1024xf32>
      %sub3A_613 = arith.subf %sub3A_612, %mul3A_610 : vector<16x1024xf32>
      %mul3A_614 = arith.mulf %add3A_609, %sub3A_613 : vector<16x1024xf32>
      %dot_general3A_615 = arith.constant dense<0.000000e+00> : vector<8x1024xf32>
      %dot_general3A_616 = tpu.matmul %get3A_15, %mul3A_614, %dot_general3A_615 {dimension_numbers = #tpu.dot_dimension_numbers<[1], [0], [0], [1], [0, 0, 1, 1], [], []>, precision = #tpu.contract_precision<fp32>, transpose_lhs_hint = false} : vector<8x16xf32>, vector<16x1024xf32>, vector<8x1024xf32> -> vector<8x1024xf32>
      %slice3A_617 = vector.extract_strided_slice %add3A_609 {offsets = [0, 0], sizes = [8, 1024], strides = [1, 1]} : vector<16x1024xf32> to vector<8x1024xf32>
      %add3A_618 = arith.addf %dot_general3A_616, %slice3A_617 : vector<8x1024xf32>
      %slice3A_619 = vector.extract_strided_slice %add3A_609 {offsets = [8, 0], sizes = [8, 1024], strides = [1, 1]} : vector<16x1024xf32> to vector<8x1024xf32>
      %add3A_620 = arith.addf %add3A_618, %slice3A_619 : vector<8x1024xf32>
      %mul3A_621 = arith.mulf %tanh3A_529, %tanh3A_529 : vector<8x1024xf32>
      %sub3A_622 = arith.constant 1.000000e+00 : f32
      %sub3A_623 = vector.broadcast %sub3A_622 : f32 to vector<8x1024xf32>
      %sub3A_624 = arith.subf %sub3A_623, %mul3A_621 : vector<8x1024xf32>
      %mul3A_625 = arith.mulf %add3A_620, %sub3A_624 : vector<8x1024xf32>
      %dot_general3A_626 = arith.constant dense<0.000000e+00> : vector<4x1024xf32>
      %dot_general3A_627 = tpu.matmul %get3A_12, %mul3A_625, %dot_general3A_626 {dimension_numbers = #tpu.dot_dimension_numbers<[1], [0], [0], [1], [0, 0, 1, 1], [], []>, precision = #tpu.contract_precision<fp32>, transpose_lhs_hint = false} : vector<4x8xf32>, vector<8x1024xf32>, vector<4x1024xf32> -> vector<4x1024xf32>
      %slice3A_628 = vector.extract_strided_slice %add3A_620 {offsets = [0, 0], sizes = [4, 1024], strides = [1, 1]} : vector<8x1024xf32> to vector<4x1024xf32>
      %add3A_629 = arith.addf %dot_general3A_627, %slice3A_628 : vector<4x1024xf32>
      %slice3A_630 = vector.extract_strided_slice %add3A_620 {offsets = [4, 0], sizes = [4, 1024], strides = [1, 1]} : vector<8x1024xf32> to vector<4x1024xf32>
      %add3A_631 = arith.addf %add3A_629, %slice3A_630 : vector<4x1024xf32>
      %mul3A_632 = arith.mulf %tanh3A_522, %tanh3A_522 : vector<4x1024xf32>
      %sub3A_633 = arith.constant 1.000000e+00 : f32
      %sub3A_634 = vector.broadcast %sub3A_633 : f32 to vector<4x1024xf32>
      %sub3A_635 = arith.subf %sub3A_634, %mul3A_632 : vector<4x1024xf32>
      %mul3A_636 = arith.mulf %add3A_631, %sub3A_635 : vector<4x1024xf32>
      %dot_general3A_637 = arith.constant dense<0.000000e+00> : vector<2x1024xf32>
      %dot_general3A_638 = tpu.matmul %get3A_9, %mul3A_636, %dot_general3A_637 {dimension_numbers = #tpu.dot_dimension_numbers<[1], [0], [0], [1], [0, 0, 1, 1], [], []>, precision = #tpu.contract_precision<fp32>, transpose_lhs_hint = false} : vector<2x4xf32>, vector<4x1024xf32>, vector<2x1024xf32> -> vector<2x1024xf32>
      %slice3A_639 = vector.extract_strided_slice %add3A_631 {offsets = [0, 0], sizes = [2, 1024], strides = [1, 1]} : vector<4x1024xf32> to vector<2x1024xf32>
      %add3A_640 = arith.addf %dot_general3A_638, %slice3A_639 : vector<2x1024xf32>
      %slice3A_641 = vector.extract_strided_slice %add3A_631 {offsets = [2, 0], sizes = [2, 1024], strides = [1, 1]} : vector<4x1024xf32> to vector<2x1024xf32>
      %add3A_642 = arith.addf %add3A_640, %slice3A_641 : vector<2x1024xf32>
      %mul3A_643 = arith.mulf %tanh3A_517, %tanh3A_517 : vector<2x1024xf32>
      %sub3A_644 = arith.constant 1.000000e+00 : f32
      %sub3A_645 = vector.broadcast %sub3A_644 : f32 to vector<2x1024xf32>
      %sub3A_646 = arith.subf %sub3A_645, %mul3A_643 : vector<2x1024xf32>
      %mul3A_647 = arith.mulf %add3A_642, %sub3A_646 : vector<2x1024xf32>
      %dot_general3A_648 = arith.constant dense<0.000000e+00> : vector<1x1024xf32>
      %dot_general3A_649 = tpu.matmul %get3A_6, %mul3A_647, %dot_general3A_648 {dimension_numbers = #tpu.dot_dimension_numbers<[1], [0], [0], [1], [0, 0, 1, 1], [], []>, precision = #tpu.contract_precision<fp32>, transpose_lhs_hint = false} : vector<1x2xf32>, vector<2x1024xf32>, vector<1x1024xf32> -> vector<1x1024xf32>
      %add3A_650 = arith.addf %broadcast_in_dim3A_596, %dot_general3A_649 : vector<1x1024xf32>
      %mul3A_651 = arith.mulf %reshape3A_512, %reshape3A_512 : vector<3x1024xf32>
      %reduce_sum3A_652 = arith.constant dense<0.000000e+00> : vector<1024xf32>
      %reduce_sum3A_653 = vector.multi_reduction <add>, %mul3A_651, %reduce_sum3A_652 [0] : vector<3x1024xf32> to vector<1024xf32>
      %broadcast_in_dim3A_654 = vector.shape_cast %reduce_sum3A_653 : vector<1024xf32> to vector<1x1024xf32>
      %gt3A_655 = arith.constant 9.99999996E-13 : f32
      %gt3A_656 = vector.broadcast %gt3A_655 : f32 to vector<1x1024xf32>
      %gt3A_657 = arith.cmpf ogt, %broadcast_in_dim3A_654, %gt3A_656 : vector<1x1024xf32>
      %mul3A_658 = arith.mulf %reshape3A_507, %reshape3A_507 : vector<1x1024xf32>
      %mul3A_659 = arith.mulf %mul3A_658, %reshape3A_507 : vector<1x1024xf32>
      %jit3A_660 = arith.constant 0.000000e+00 : f32
      %broadcast_in_dim3A_661 = vector.broadcast %jit3A_660 : f32 to vector<1x1024xf32>
      %select_n3A_662 = arith.select %gt3A_657, %mul3A_659, %broadcast_in_dim3A_661 : vector<1x1024xi1>, vector<1x1024xf32>
      %neg3A_663 = arith.constant 0.000000e+00 : f32
      %neg3A_664 = vector.broadcast %neg3A_663 : f32 to vector<1x1024xf32>
      %neg3A_665 = arith.subf %neg3A_664, %add3A_650 : vector<1x1024xf32>
      %mul3A_666 = arith.mulf %neg3A_665, %select_n3A_662 : vector<1x1024xf32>
      %mul3A_667 = vector.broadcast %mul3A_666 : vector<1x1024xf32> to vector<3x1024xf32>
      %mul3A_668 = arith.mulf %mul3A_667, %reshape3A_512 : vector<3x1024xf32>
      %reshape3A_669 = vector.shape_cast %mul3A_668 : vector<3x1024xf32> to vector<1x3x1024xf32>
      %swap3A_670 = arith.constant 0 : index
      %swap3A_671 = arith.index_cast %scan3A_501 : i32 to index
      %swap3A_672 = arith.constant 0 : index
      %swap3A_673 = arith.constant 0 : index
      %swap3A_674 = vector.load %arg62[%swap3A_670, %swap3A_671, %swap3A_672, %swap3A_673] : memref<1x16x3x1024xf32, #tpu.memory_space<vmem>>, vector<1x1x3x1024xf32>
      %swap3A_675 = vector.shape_cast %swap3A_674 : vector<1x1x3x1024xf32> to vector<1x3x1024xf32>
      %swap3A_676 = vector.shape_cast %reshape3A_669 : vector<1x3x1024xf32> to vector<1x1x3x1024xf32>
      tpu.vector_store %arg62[%swap3A_670, %swap3A_671, %swap3A_672, %swap3A_673], %swap3A_676 {strides = array<i32>} : memref<1x16x3x1024xf32, #tpu.memory_space<vmem>>, vector<1x1x3x1024xf32>,
      %jit3A_677 = arith.constant 32 : i32
      %div3A_678 = vector.broadcast %jit3A_677 : i32 to vector<1x1024xi32>
      %div3A_679 = arith.divsi %add3A_550, %div3A_678 : vector<1x1024xi32>
      %sign3A_680 = arith.constant 0 : i32
      %sign3A_681 = vector.broadcast %sign3A_680 : i32 to vector<1x1024xi32>
      %sign3A_682 = arith.cmpi sgt, %add3A_550, %sign3A_681 : vector<1x1024xi32>
      %sign3A_683 = arith.extui %sign3A_682 : vector<1x1024xi1> to vector<1x1024xi32>
      %sign3A_684 = arith.constant 0 : i32
      %sign3A_685 = vector.broadcast %sign3A_684 : i32 to vector<1x1024xi32>
      %sign3A_686 = arith.cmpi slt, %add3A_550, %sign3A_685 : vector<1x1024xi32>
      %sign3A_687 = arith.extui %sign3A_686 : vector<1x1024xi1> to vector<1x1024xi32>
      %sign3A_688 = arith.subi %sign3A_683, %sign3A_687 : vector<1x1024xi32>
      %sign3A_689 = arith.constant 0 : i32
      %sign3A_690 = arith.cmpi sgt, %jit3A_677, %sign3A_689 : i32
      %sign3A_691 = arith.extui %sign3A_690 : i1 to i32
      %sign3A_692 = arith.constant 0 : i32
      %sign3A_693 = arith.cmpi slt, %jit3A_677, %sign3A_692 : i32
      %sign3A_694 = arith.extui %sign3A_693 : i1 to i32
      %sign3A_695 = arith.subi %sign3A_691, %sign3A_694 : i32
      %ne3A_696 = vector.broadcast %sign3A_695 : i32 to vector<1x1024xi32>
      %ne3A_697 = arith.cmpi ne, %sign3A_688, %ne3A_696 : vector<1x1024xi32>
      %rem3A_698 = vector.broadcast %jit3A_677 : i32 to vector<1x1024xi32>
      %rem3A_699 = arith.remsi %add3A_550, %rem3A_698 : vector<1x1024xi32>
      %ne3A_700 = arith.constant 0 : i32
      %ne3A_701 = vector.broadcast %ne3A_700 : i32 to vector<1x1024xi32>
      %ne3A_702 = arith.cmpi ne, %rem3A_699, %ne3A_701 : vector<1x1024xi32>
      %and3A_703 = arith.andi %ne3A_697, %ne3A_702 : vector<1x1024xi1>
      %sub3A_704 = arith.constant 1 : i32
      %sub3A_705 = vector.broadcast %sub3A_704 : i32 to vector<1x1024xi32>
      %sub3A_706 = arith.subi %div3A_679, %sub3A_705 : vector<1x1024xi32>
      %select_n3A_707 = arith.select %and3A_703, %sub3A_706, %div3A_679 : vector<1x1024xi1>, vector<1x1024xi32>
      %eq3A_708 = vector.broadcast %select_n3A_707 : vector<1x1024xi32> to vector<512x1024xi32>
      %eq3A_709 = vector.broadcast %iota3A : vector<512x1xi32> to vector<512x1024xi32>
      %eq3A_710 = arith.cmpi eq, %eq3A_708, %eq3A_709 : vector<512x1024xi32>
      %convert_element_type3A_711 = arith.extui %eq3A_710 : vector<512x1024xi1> to vector<512x1024xi32>
      %convert_element_type3A_712 = arith.sitofp %convert_element_type3A_711 : vector<512x1024xi32> to vector<512x1024xf32>
      %dot_general3A_713 = arith.constant dense<0.000000e+00> : vector<3x512xf32>
      %dot_general3A_714 = tpu.matmul %mul3A_668, %convert_element_type3A_712, %dot_general3A_713 {dimension_numbers = #tpu.dot_dimension_numbers<[1], [1], [0], [0], [0, 0, 1, 0], [], []>, precision = #tpu.contract_precision<fp32>, transpose_lhs_hint = false} : vector<3x1024xf32>, vector<512x1024xf32>, vector<3x512xf32> -> vector<3x512xf32>
      %sub3A_715 = arith.subf %scan3A_502, %dot_general3A_714 : vector<3x512xf32>
      scf.yield %sub3A_715 : vector<3x512xf32>
    }
    %scan3A_491 = arith.constant 16 : i32
    %add3A_492 = arith.addf %scan3A_490, %mul3A_483 : vector<3x512xf32>
    %neg3A = arith.constant 0.000000e+00 : f32
    %neg3A_493 = vector.broadcast %neg3A : f32 to vector<3x512xf32>
    %neg3A_494 = arith.subf %neg3A_493, %add3A_492 : vector<3x512xf32>
    %swap3A_495 = arith.constant 0 : index
    %swap3A_496 = arith.constant 0 : index
    %swap3A_497 = arith.constant 0 : index
    %swap3A_498 = vector.load %arg61[%swap3A_495, %swap3A_496, %swap3A_497] : memref<1x3x512xf32, #tpu.memory_space<vmem>>, vector<1x3x512xf32>
    %swap3A_499 = vector.shape_cast %swap3A_498 : vector<1x3x512xf32> to vector<3x512xf32>
    %swap3A_500 = vector.shape_cast %neg3A_494 : vector<3x512xf32> to vector<1x3x512xf32>
    tpu.vector_store %arg61[%swap3A_495, %swap3A_496, %swap3A_497], %swap3A_500 {strides = array<i32>} : memref<1x3x512xf32, #tpu.memory_space<vmem>>, vector<1x3x512xf32>,
    return
  }
  func.func @transform_0(%arg0: i32) -> (i32, i32, i32) {
    %c0_i32 = arith.constant 0 : i32
    %c0_i32_0 = arith.constant 0 : i32
    %c0_i32_1 = arith.constant 0 : i32
    return %arg0, %c0_i32, %c0_i32_0 : i32, i32, i32
  }
  func.func @transform_1(%arg0: i32) -> (i32, i32, i32, i32) {
    %c0_i32 = arith.constant 0 : i32
    %c0_i32_0 = arith.constant 0 : i32
    %c0_i32_1 = arith.constant 0 : i32
    %c0_i32_2 = arith.constant 0 : i32
    return %arg0, %c0_i32, %c0_i32_0, %c0_i32_1 : i32, i32, i32, i32
  }
  func.func @transform_2(%arg0: i32) -> (i32, i32, i32, i32) {
    %c0_i32 = arith.constant 0 : i32
    %c0_i32_0 = arith.constant 0 : i32
    %c0_i32_1 = arith.constant 0 : i32
    %c0_i32_2 = arith.constant 0 : i32
    return %arg0, %c0_i32, %c0_i32_0, %c0_i32_1 : i32, i32, i32, i32
  }
  func.func @transform_3(%arg0: i32) -> (i32, i32) {
    %c0_i32 = arith.constant 0 : i32
    %c0_i32_0 = arith.constant 0 : i32
    %c0_i32_1 = arith.constant 0 : i32
    return %c0_i32, %c0_i32_0 : i32, i32
  }
  func.func @transform_4(%arg0: i32) -> (i32, i32) {
    %c0_i32 = arith.constant 0 : i32
    %c0_i32_0 = arith.constant 0 : i32
    %c0_i32_1 = arith.constant 0 : i32
    return %c0_i32, %c0_i32_0 : i32, i32
  }
  func.func @transform_5(%arg0: i32) -> (i32, i32) {
    %c0_i32 = arith.constant 0 : i32
    %c0_i32_0 = arith.constant 0 : i32
    %c0_i32_1 = arith.constant 0 : i32
    return %c0_i32, %c0_i32_0 : i32, i32
  }
  func.func @transform_6(%arg0: i32) -> (i32, i32) {
    %c0_i32 = arith.constant 0 : i32
    %c0_i32_0 = arith.constant 0 : i32
    %c0_i32_1 = arith.constant 0 : i32
    return %c0_i32, %c0_i32_0 : i32, i32
  }
  func.func @transform_7(%arg0: i32) -> (i32, i32) {
    %c0_i32 = arith.constant 0 : i32
    %c0_i32_0 = arith.constant 0 : i32
    %c0_i32_1 = arith.constant 0 : i32
    return %c0_i32, %c0_i32_0 : i32, i32
  }
  func.func @transform_8(%arg0: i32) -> (i32, i32) {
    %c0_i32 = arith.constant 0 : i32
    %c0_i32_0 = arith.constant 0 : i32
    %c0_i32_1 = arith.constant 0 : i32
    return %c0_i32, %c0_i32_0 : i32, i32
  }
  func.func @transform_9(%arg0: i32) -> (i32, i32) {
    %c0_i32 = arith.constant 0 : i32
    %c0_i32_0 = arith.constant 0 : i32
    %c0_i32_1 = arith.constant 0 : i32
    return %c0_i32, %c0_i32_0 : i32, i32
  }
  func.func @transform_10(%arg0: i32) -> (i32, i32) {
    %c0_i32 = arith.constant 0 : i32
    %c0_i32_0 = arith.constant 0 : i32
    %c0_i32_1 = arith.constant 0 : i32
    return %c0_i32, %c0_i32_0 : i32, i32
  }
  func.func @transform_11(%arg0: i32) -> (i32, i32) {
    %c0_i32 = arith.constant 0 : i32
    %c0_i32_0 = arith.constant 0 : i32
    %c0_i32_1 = arith.constant 0 : i32
    return %c0_i32, %c0_i32_0 : i32, i32
  }
  func.func @transform_12(%arg0: i32) -> (i32, i32) {
    %c0_i32 = arith.constant 0 : i32
    %c0_i32_0 = arith.constant 0 : i32
    %c0_i32_1 = arith.constant 0 : i32
    return %c0_i32, %c0_i32_0 : i32, i32
  }
  func.func @transform_13(%arg0: i32) -> (i32, i32) {
    %c0_i32 = arith.constant 0 : i32
    %c0_i32_0 = arith.constant 0 : i32
    %c0_i32_1 = arith.constant 0 : i32
    return %c0_i32, %c0_i32_0 : i32, i32
  }
  func.func @transform_14(%arg0: i32) -> (i32, i32) {
    %c0_i32 = arith.constant 0 : i32
    %c0_i32_0 = arith.constant 0 : i32
    %c0_i32_1 = arith.constant 0 : i32
    return %c0_i32, %c0_i32_0 : i32, i32
  }
  func.func @transform_15(%arg0: i32) -> (i32, i32) {
    %c0_i32 = arith.constant 0 : i32
    %c0_i32_0 = arith.constant 0 : i32
    %c0_i32_1 = arith.constant 0 : i32
    return %c0_i32, %c0_i32_0 : i32, i32
  }
  func.func @transform_16(%arg0: i32) -> (i32, i32) {
    %c0_i32 = arith.constant 0 : i32
    %c0_i32_0 = arith.constant 0 : i32
    %c0_i32_1 = arith.constant 0 : i32
    return %c0_i32, %c0_i32_0 : i32, i32
  }
  func.func @transform_17(%arg0: i32) -> (i32, i32) {
    %c0_i32 = arith.constant 0 : i32
    %c0_i32_0 = arith.constant 0 : i32
    %c0_i32_1 = arith.constant 0 : i32
    return %c0_i32, %c0_i32_0 : i32, i32
  }
  func.func @transform_18(%arg0: i32) -> (i32, i32) {
    %c0_i32 = arith.constant 0 : i32
    %c0_i32_0 = arith.constant 0 : i32
    %c0_i32_1 = arith.constant 0 : i32
    return %c0_i32, %c0_i32_0 : i32, i32
  }
  func.func @transform_19(%arg0: i32) -> (i32, i32) {
    %c0_i32 = arith.constant 0 : i32
    %c0_i32_0 = arith.constant 0 : i32
    %c0_i32_1 = arith.constant 0 : i32
    return %c0_i32, %c0_i32_0 : i32, i32
  }
  func.func @transform_20(%arg0: i32) -> (i32, i32) {
    %c0_i32 = arith.constant 0 : i32
    %c0_i32_0 = arith.constant 0 : i32
    %c0_i32_1 = arith.constant 0 : i32
    return %c0_i32, %c0_i32_0 : i32, i32
  }
  func.func @transform_21(%arg0: i32) -> (i32, i32) {
    %c0_i32 = arith.constant 0 : i32
    %c0_i32_0 = arith.constant 0 : i32
    %c0_i32_1 = arith.constant 0 : i32
    return %c0_i32, %c0_i32_0 : i32, i32
  }
  func.func @transform_22(%arg0: i32) -> (i32, i32) {
    %c0_i32 = arith.constant 0 : i32
    %c0_i32_0 = arith.constant 0 : i32
    %c0_i32_1 = arith.constant 0 : i32
    return %c0_i32, %c0_i32_0 : i32, i32
  }
  func.func @transform_23(%arg0: i32) -> (i32, i32) {
    %c0_i32 = arith.constant 0 : i32
    %c0_i32_0 = arith.constant 0 : i32
    %c0_i32_1 = arith.constant 0 : i32
    return %c0_i32, %c0_i32_0 : i32, i32
  }
  func.func @transform_24(%arg0: i32) -> (i32, i32) {
    %c0_i32 = arith.constant 0 : i32
    %c0_i32_0 = arith.constant 0 : i32
    %c0_i32_1 = arith.constant 0 : i32
    return %c0_i32, %c0_i32_0 : i32, i32
  }
  func.func @transform_25(%arg0: i32) -> (i32, i32) {
    %c0_i32 = arith.constant 0 : i32
    %c0_i32_0 = arith.constant 0 : i32
    %c0_i32_1 = arith.constant 0 : i32
    return %c0_i32, %c0_i32_0 : i32, i32
  }
  func.func @transform_26(%arg0: i32) -> (i32, i32) {
    %c0_i32 = arith.constant 0 : i32
    %c0_i32_0 = arith.constant 0 : i32
    %c0_i32_1 = arith.constant 0 : i32
    return %c0_i32, %c0_i32_0 : i32, i32
  }
  func.func @transform_27(%arg0: i32) -> (i32, i32) {
    %c0_i32 = arith.constant 0 : i32
    %c0_i32_0 = arith.constant 0 : i32
    %c0_i32_1 = arith.constant 0 : i32
    return %c0_i32, %c0_i32_0 : i32, i32
  }
  func.func @transform_28(%arg0: i32) -> (i32, i32) {
    %c0_i32 = arith.constant 0 : i32
    %c0_i32_0 = arith.constant 0 : i32
    %c0_i32_1 = arith.constant 0 : i32
    return %c0_i32, %c0_i32_0 : i32, i32
  }
  func.func @transform_29(%arg0: i32) -> (i32, i32) {
    %c0_i32 = arith.constant 0 : i32
    %c0_i32_0 = arith.constant 0 : i32
    %c0_i32_1 = arith.constant 0 : i32
    return %c0_i32, %c0_i32_0 : i32, i32
  }
  func.func @transform_30(%arg0: i32) -> (i32, i32) {
    %c0_i32 = arith.constant 0 : i32
    %c0_i32_0 = arith.constant 0 : i32
    %c0_i32_1 = arith.constant 0 : i32
    return %c0_i32, %c0_i32_0 : i32, i32
  }
  func.func @transform_31(%arg0: i32) -> (i32, i32) {
    %c0_i32 = arith.constant 0 : i32
    %c0_i32_0 = arith.constant 0 : i32
    %c0_i32_1 = arith.constant 0 : i32
    return %c0_i32, %c0_i32_0 : i32, i32
  }
  func.func @transform_32(%arg0: i32) -> (i32, i32) {
    %c0_i32 = arith.constant 0 : i32
    %c0_i32_0 = arith.constant 0 : i32
    %c0_i32_1 = arith.constant 0 : i32
    return %c0_i32, %c0_i32_0 : i32, i32
  }
  func.func @transform_33(%arg0: i32) -> (i32, i32) {
    %c0_i32 = arith.constant 0 : i32
    %c0_i32_0 = arith.constant 0 : i32
    %c0_i32_1 = arith.constant 0 : i32
    return %c0_i32, %c0_i32_0 : i32, i32
  }
  func.func @transform_34(%arg0: i32) -> (i32, i32) {
    %c0_i32 = arith.constant 0 : i32
    %c0_i32_0 = arith.constant 0 : i32
    %c0_i32_1 = arith.constant 0 : i32
    return %c0_i32, %c0_i32_0 : i32, i32
  }
  func.func @transform_35(%arg0: i32) -> (i32, i32) {
    %c0_i32 = arith.constant 0 : i32
    %c0_i32_0 = arith.constant 0 : i32
    %c0_i32_1 = arith.constant 0 : i32
    return %c0_i32, %c0_i32_0 : i32, i32
  }
  func.func @transform_36(%arg0: i32) -> (i32, i32) {
    %c0_i32 = arith.constant 0 : i32
    %c0_i32_0 = arith.constant 0 : i32
    %c0_i32_1 = arith.constant 0 : i32
    return %c0_i32, %c0_i32_0 : i32, i32
  }
  func.func @transform_37(%arg0: i32) -> (i32, i32) {
    %c0_i32 = arith.constant 0 : i32
    %c0_i32_0 = arith.constant 0 : i32
    %c0_i32_1 = arith.constant 0 : i32
    return %c0_i32, %c0_i32_0 : i32, i32
  }
  func.func @transform_38(%arg0: i32) -> (i32, i32) {
    %c0_i32 = arith.constant 0 : i32
    %c0_i32_0 = arith.constant 0 : i32
    %c0_i32_1 = arith.constant 0 : i32
    return %c0_i32, %c0_i32_0 : i32, i32
  }
  func.func @transform_39(%arg0: i32) -> (i32, i32) {
    %c0_i32 = arith.constant 0 : i32
    %c0_i32_0 = arith.constant 0 : i32
    %c0_i32_1 = arith.constant 0 : i32
    return %c0_i32, %c0_i32_0 : i32, i32
  }
  func.func @transform_40(%arg0: i32) -> (i32, i32) {
    %c0_i32 = arith.constant 0 : i32
    %c0_i32_0 = arith.constant 0 : i32
    %c0_i32_1 = arith.constant 0 : i32
    return %c0_i32, %c0_i32_0 : i32, i32
  }
  func.func @transform_41(%arg0: i32) -> (i32, i32) {
    %c0_i32 = arith.constant 0 : i32
    %c0_i32_0 = arith.constant 0 : i32
    %c0_i32_1 = arith.constant 0 : i32
    return %c0_i32, %c0_i32_0 : i32, i32
  }
  func.func @transform_42(%arg0: i32) -> (i32, i32) {
    %c0_i32 = arith.constant 0 : i32
    %c0_i32_0 = arith.constant 0 : i32
    %c0_i32_1 = arith.constant 0 : i32
    return %c0_i32, %c0_i32_0 : i32, i32
  }
  func.func @transform_43(%arg0: i32) -> (i32, i32) {
    %c0_i32 = arith.constant 0 : i32
    %c0_i32_0 = arith.constant 0 : i32
    %c0_i32_1 = arith.constant 0 : i32
    return %c0_i32, %c0_i32_0 : i32, i32
  }
  func.func @transform_44(%arg0: i32) -> (i32, i32) {
    %c0_i32 = arith.constant 0 : i32
    %c0_i32_0 = arith.constant 0 : i32
    %c0_i32_1 = arith.constant 0 : i32
    return %c0_i32, %c0_i32_0 : i32, i32
  }
  func.func @transform_45(%arg0: i32) -> (i32, i32) {
    %c0_i32 = arith.constant 0 : i32
    %c0_i32_0 = arith.constant 0 : i32
    %c0_i32_1 = arith.constant 0 : i32
    return %c0_i32, %c0_i32_0 : i32, i32
  }
  func.func @transform_46(%arg0: i32) -> (i32, i32) {
    %c0_i32 = arith.constant 0 : i32
    %c0_i32_0 = arith.constant 0 : i32
    %c0_i32_1 = arith.constant 0 : i32
    return %c0_i32, %c0_i32_0 : i32, i32
  }
  func.func @transform_47(%arg0: i32) -> (i32, i32) {
    %c0_i32 = arith.constant 0 : i32
    %c0_i32_0 = arith.constant 0 : i32
    %c0_i32_1 = arith.constant 0 : i32
    return %c0_i32, %c0_i32_0 : i32, i32
  }
  func.func @transform_48(%arg0: i32) -> (i32, i32) {
    %c0_i32 = arith.constant 0 : i32
    %c0_i32_0 = arith.constant 0 : i32
    %c0_i32_1 = arith.constant 0 : i32
    return %c0_i32, %c0_i32_0 : i32, i32
  }
  func.func @transform_49(%arg0: i32) -> (i32, i32) {
    %c0_i32 = arith.constant 0 : i32
    %c0_i32_0 = arith.constant 0 : i32
    %c0_i32_1 = arith.constant 0 : i32
    return %c0_i32, %c0_i32_0 : i32, i32
  }
  func.func @transform_50(%arg0: i32) -> (i32, i32) {
    %c0_i32 = arith.constant 0 : i32
    %c0_i32_0 = arith.constant 0 : i32
    %c0_i32_1 = arith.constant 0 : i32
    return %c0_i32, %c0_i32_0 : i32, i32
  }
  func.func @transform_51(%arg0: i32) -> (i32, i32) {
    %c0_i32 = arith.constant 0 : i32
    %c0_i32_0 = arith.constant 0 : i32
    %c0_i32_1 = arith.constant 0 : i32
    return %c0_i32, %c0_i32_0 : i32, i32
  }
  func.func @transform_52(%arg0: i32) -> (i32, i32) {
    %c0_i32 = arith.constant 0 : i32
    %c0_i32_0 = arith.constant 0 : i32
    %c0_i32_1 = arith.constant 0 : i32
    return %c0_i32, %c0_i32_0 : i32, i32
  }
  func.func @transform_53(%arg0: i32) -> (i32, i32) {
    %c0_i32 = arith.constant 0 : i32
    %c0_i32_0 = arith.constant 0 : i32
    %c0_i32_1 = arith.constant 0 : i32
    return %c0_i32, %c0_i32_0 : i32, i32
  }
  func.func @transform_54(%arg0: i32) -> (i32, i32) {
    %c0_i32 = arith.constant 0 : i32
    %c0_i32_0 = arith.constant 0 : i32
    %c0_i32_1 = arith.constant 0 : i32
    return %c0_i32, %c0_i32_0 : i32, i32
  }
  func.func @transform_55(%arg0: i32) -> (i32, i32) {
    %c0_i32 = arith.constant 0 : i32
    %c0_i32_0 = arith.constant 0 : i32
    %c0_i32_1 = arith.constant 0 : i32
    return %c0_i32, %c0_i32_0 : i32, i32
  }
  func.func @transform_56(%arg0: i32) -> (i32, i32) {
    %c0_i32 = arith.constant 0 : i32
    %c0_i32_0 = arith.constant 0 : i32
    %c0_i32_1 = arith.constant 0 : i32
    return %c0_i32, %c0_i32_0 : i32, i32
  }
  func.func @transform_57(%arg0: i32) -> (i32, i32) {
    %c0_i32 = arith.constant 0 : i32
    %c0_i32_0 = arith.constant 0 : i32
    %c0_i32_1 = arith.constant 0 : i32
    return %c0_i32, %c0_i32_0 : i32, i32
  }
  func.func @transform_58(%arg0: i32) -> (i32, i32) {
    %c0_i32 = arith.constant 0 : i32
    %c0_i32_0 = arith.constant 0 : i32
    %c0_i32_1 = arith.constant 0 : i32
    return %c0_i32, %c0_i32_0 : i32, i32
  }
  func.func @transform_59(%arg0: i32) -> (i32, i32, i32) {
    %c0_i32 = arith.constant 0 : i32
    %c0_i32_0 = arith.constant 0 : i32
    %c0_i32_1 = arith.constant 0 : i32
    return %arg0, %c0_i32, %c0_i32_0 : i32, i32, i32
  }
  func.func @transform_60(%arg0: i32) -> (i32, i32, i32) {
    %c0_i32 = arith.constant 0 : i32
    %c0_i32_0 = arith.constant 0 : i32
    %c0_i32_1 = arith.constant 0 : i32
    return %arg0, %c0_i32, %c0_i32_0 : i32, i32, i32
  }
  func.func @transform_61(%arg0: i32) -> (i32, i32, i32, i32) {
    %c0_i32 = arith.constant 0 : i32
    %c0_i32_0 = arith.constant 0 : i32
    %c0_i32_1 = arith.constant 0 : i32
    %c0_i32_2 = arith.constant 0 : i32
    return %arg0, %c0_i32, %c0_i32_0, %c0_i32_1 : i32, i32, i32, i32
  }
}

</mosaic_0001>

<sc_bundles>
// kernel: kernel.5.cloned.1.call-start
scs
__scs_entry_jumppad:
0x0: {  	(pc) =	sbr.rel $0x88, $3  }
0x1: {  	(tag) =	ssettag $0x0;
	lr =	simm.s32 $0x1  }
0x2: {  	[smem:$0x3F7D] =	sst lr;
	_ =	strace $0xD0000000  }
0x3: {  	_ = 	snop  }
0x4: {  	_ = 	snop  }
0x5: {  	_ = 	snop  }
0x6: {  	_ = 	snop  }
0x7: {  	_ = 	snop  }
__scs_overlays_trampoline_lowered:
0x8: {  	[smem:$0x3F8C] =	sst s0  }
0x9: {  	[smem:$0x3F8D] =	sst s1  }
0xa: {  	[smem:$0x3F8E] =	sst s2  }
0xb: {  	[smem:$0x3F8F] =	sst s3  }
0xc: {  	[smem:$0x3F90] =	sst s4  }
0xd: {  	[smem:$0x3F91] =	sst s5  }
0xe: {  	[smem:$0x3F92] =	sst s6  }
0xf: {  	[smem:$0x3F93] =	sst s7  }
0x10: {  	[smem:$0x3F94] =	sst s8  }
0x11: {  	[smem:$0x3F95] =	sst s9;
	s0 =	simm.s32 @!p0 $0x0  }
0x12: {  	s1 =	sld [smem:$0x3F7B];
	s0 =	simm.s32 @p0 $0x1  }
0x13: {  	[smem:$0x3F96] =	sst s0;
	s0 =	simm.s32 @!p1 $0x0  }
0x14: {  	s2 =	sld [smem:$0x3F7A];
	s0 =	simm.s32 @p1 $0x1  }
0x15: {  	[smem:$0x3F97] =	sst s0;
	s0 =	simm.s32 @!p2 $0x0  }
0x16: {  	s3 =	sld [smem:$0x3FDB];
	s0 =	simm.s32 @p2 $0x1  }
0x17: {  	s4 =	simm.s32 $0x1BF5;
	[smem:$0x3F99] =	sst s0  }
0x18: {  	s0 =	sld [smem:$0x3F7C];
	_ =	swait.ge [sflag:s4], $0x0  }
0x19: {  	s7 =	sld [smem:$0x3F7D]  }
0x1a: {  	s8 =	sadd.s32 $0xFFFFE003, lr  }
0x1b: {  	s9 =	sadd.s32 $0xFFFFFEF7, lr;
	s5 =	simm.s32 $0xFFFFFFFF;
	p2 =	slt.u32 s8, $0xFFFFF086  }
0x1c: {  	p1 =	slt.u32 s9, $0xF7A;
	s5 =	simm.s32 @!p2 $0x0  }
0x1d: {  	s5 =	simm.s32 @p1 $0x1;
	p0 =	seq.s32 s7, s2  }
0x1e: {  	s7 =	smul.u32 @!p0 $0xF7A, s2;
	p2 =	seq.s32 @!p0 s5, $0x0  }
0x1f: {  	s9 =	smul.u32 $0xF7A, s1;
	s8 =	simm.s32 @!p0 $0x1BF5;
	p2 =	por !p2, p0  }
0x20: {  	[sflag:s8] =	ssyncset.s32 @!p0 $0xFFFFF086;
	s6 =	sadd.s32 @!p0 s3, s7;
	s7 =	simm.s32 @!p0 $0x108  }
0x21: {  	s3 =	sadd.s32 s3, s9;
	s6 =	sadd.s32 @!p0 $0x88, s6;
	s7 =	simm.s32 @p2 $0x1082  }
0x22: {  	[simem:s7], [sflag:s8] =	dma.local @!p0 [hbm:s6], $0xF7A  }
0x23: {  	s9 =	sor.u32 $0xD0000000, s2;
	s6 =	simm.s32 $0x108;
	_ =	swait.ge @!p0 [sflag:s8], $0x0  }
0x24: {  	s3 =	sadd.s32 $0x88, s3;
	s6 =	simm.s32 @!p1 $0x1082;
	[sflag:s4] =	ssyncset.s32 $0xFFFFF086  }
0x25: {  	[simem:s6], [sflag:s4] =	dma.local [hbm:s3], $0xF7A  }
0x26: {  	[smem:$0x3F7D] =	sst s1;
	(tag) =	ssettag s2;
	_ =	strace s9  }
0x27: {  	s1 =	sld [smem:$0x3F8D]  }
0x28: {  	s2 =	sld [smem:$0x3F8E]  }
0x29: {  	s4 =	sld [smem:$0x3F90]  }
0x2a: {  	p0 =	seq.s32 s5, $0x0;
	s5 =	sld [smem:$0x3F91]  }
0x2b: {  	s6 =	sld [smem:$0x3F92]  }
0x2c: {  	s7 =	sld [smem:$0x3F93]  }
0x2d: {  	s3 =	simm.s32 $0x108;
	s8 =	sld [smem:$0x3F94]  }
0x2e: {  	s3 =	simm.s32 @!p0 $0x1082;
	s9 =	sld [smem:$0x3F95]  }
0x2f: {  	lr =	sadd.s32 s0, s3;
	s0 =	sld [smem:$0x3F8C]  }
0x30: {  	s3 =	sld [smem:$0x3F8F]  }
0x31: {  	[smem:$0x3F98] =	sst s10  }
0x32: {  	s10 =	sld [smem:$0x3F96];
	_ =	sdelay $0x3  }
0x33: {  	p0 =	seq.s32 s10, $0x1;
	s10 =	sld [smem:$0x3F98];
	_ =	sdelay $0x3  }
0x34: {  	[smem:$0x3F98] =	sst s10  }
0x35: {  	s10 =	sld [smem:$0x3F97];
	_ =	sdelay $0x3  }
0x36: {  	p1 =	seq.s32 s10, $0x1;
	s10 =	sld [smem:$0x3F98];
	_ =	sdelay $0x3  }
0x37: {  	[smem:$0x3F98] =	sst s10  }
0x38: {  	s10 =	sld [smem:$0x3F99]  }
0x39: {  	_ = 	snop;
	(pc) =	sbr.ind lr, $3  }
0x3a: {  	_ = 	snop  }
0x3b: {  	_ = 	snop  }
0x3c: {  	p2 =	seq.s32 s10, $0x1;
	s10 =	sld [smem:$0x3F98]  }
0x3d: {  	_ =	shalt  }
0x3e: {  	_ =	shalt  }
0x3f: {  	_ =	shalt  }
0x40: {  	_ =	shalt  }
0x41: {  	_ =	shalt  }
0x42: {  	_ =	shalt  }
0x43: {  	_ =	shalt  }
0x44: {  	_ =	shalt  }
0x45: {  	_ =	shalt  }
0x46: {  	_ =	shalt  }
0x47: {  	_ =	shalt  }
0x48: {  	_ =	shalt  }
0x49: {  	_ =	shalt  }
0x4a: {  	_ =	shalt  }
0x4b: {  	_ =	shalt  }
0x4c: {  	_ =	shalt  }
0x4d: {  	_ =	shalt  }
0x4e: {  	_ =	shalt  }
0x4f: {  	_ =	shalt  }
0x50: {  	_ =	shalt  }
0x51: {  	_ =	shalt  }
0x52: {  	_ =	shalt  }
0x53: {  	_ =	shalt  }
0x54: {  	_ =	shalt  }
0x55: {  	_ =	shalt  }
0x56: {  	_ =	shalt  }
0x57: {  	_ =	shalt  }
0x58: {  	_ =	shalt  }
0x59: {  	_ =	shalt  }
0x5a: {  	_ =	shalt  }
0x5b: {  	_ =	shalt  }
0x5c: {  	_ =	shalt  }
0x5d: {  	_ =	shalt  }
0x5e: {  	_ =	shalt  }
0x5f: {  	_ =	shalt  }
0x60: {  	_ =	shalt  }
0x61: {  	_ =	shalt  }
0x62: {  	_ =	shalt  }
0x63: {  	_ =	shalt  }
0x64: {  	_ =	shalt  }
0x65: {  	_ =	shalt  }
0x66: {  	_ =	shalt  }
0x67: {  	_ =	shalt  }
0x68: {  	_ =	shalt  }
0x69: {  	_ =	shalt  }
0x6a: {  	_ =	shalt  }
0x6b: {  	_ =	shalt  }
0x6c: {  	_ =	shalt  }
0x6d: {  	_ =	shalt  }
0x6e: {  	_ =	shalt  }
0x6f: {  	_ =	shalt  }
0x70: {  	_ =	shalt  }
0x71: {  	_ =	shalt  }
0x72: {  	_ =	shalt  }
0x73: {  	_ =	shalt  }
0x74: {  	_ =	shalt  }
0x75: {  	_ =	shalt  }
0x76: {  	_ =	shalt  }
0x77: {  	_ =	shalt  }
0x78: {  	_ =	shalt  }
0x79: {  	_ =	shalt  }
0x7a: {  	_ =	shalt  }
0x7b: {  	_ =	shalt  }
0x7c: {  	_ =	shalt  }
0x7d: {  	_ =	shalt  }
0x7e: {  	_ =	shalt  }
0x7f: {  	_ =	shalt  }
0x80: {  	_ =	shalt  }
0x81: {  	_ =	shalt  }
0x82: {  	_ =	shalt  }
0x83: {  	_ =	shalt  }
0x84: {  	_ =	shalt  }
0x85: {  	_ =	shalt  }
0x86: {  	_ =	shalt  }
0x87: {  	_ =	shalt  }
.Lfunc_end0:
.L_simem_size_0:
called_computation_lowered:
.L_overlay_start_0:
0x88: {  	s2 =	sld [smem:$0x3FD9]  }
0x89: {  	s3 =	sld [smem:$0x3FFE];
	_ =	sdelay $0x1  }
0x8a: {  	s1 =	srdreg.scid  }
0x8b: {  	s0 =	sand.u32 $0x1, s1  }
0x8c: {  	s16 =	sshll.u32 s0, $0xA;
	s2 =	sadd.s32 s3, s2  }
0x8d: {  	s2 =	sadd.s32 s2, s16  }
0x8e: {  	[smem:$0x3FA4] =	sst s2  }
0x8f: {  	_ = 	snop  }
0x90: {  	(tm) =	ssettm $0x1  }
0x91: {  	s17 =	sld [smem:$0x3FFB];
	_ =	sdelay $0x3  }
0x92: {  	_ =	strace s17  }
0x93: {  	s2 =	sld [smem:$0x3FFC];
	_ =	sdelay $0x3  }
0x94: {  	_ =	strace s2  }
0x95: {  	s2 =	sld [smem:$0x3FFD];
	_ =	sdelay $0x3  }
0x96: {  	_ =	strace s2  }
0x97: {  	_ =	strace $0x8FFFFFFF  }
0x98: {  	s18 =	sld [smem:$0x3FDB];
	_ =	sdelay $0x1  }
0x99: {  	s19 =	simm.s32 $_scs_section_size  }
0x9a: {  	s4 =	simm.s32 $_size__tile_overlayer_lowered;
	s5 =	simm.s32 $_tile_overlayer_lowered  }
0x9b: {  	s22 =	simm.s32 $0x1BFF;
	s21 =	sshll.u32 s5, $0x1;
	s2 =	sadd.s32 s19, s18  }
0x9c: {  	s6 =	simm.s32 $0x0;
	s20 =	sshll.u32 s4, $0x1;
	s4 =	sadd.s32 s21, s2  }
0x9d: {  	[timem:s6], [sflag:s22] =	dma.local [hbm:s4], s20  }
0x9e: {  	_ =	swait.ge [sflag:s22], s20  }
0x9f: {  	s3 =	ssub.s32 $0x0, s20;
	[sflag:s22] =	ssyncset.done $0x0  }
0xa0: {  	[sflag:s22] =	ssyncadd.s32 s3;
	_ =	sdelay $0x1  }
0xa1: {  	s23 =	simm.s32 $0x1B8B  }
0xa2: {  	_ =	swait.ge [sflag:s23], $0x1  }
0xa3: {  	[sflag:s23] =	ssyncset.done $0x0  }
0xa4: {  	s25 =	simm.s32 $0x1B8E;
	s24 =	sld [smem:$0x3FFE];
	[sflag:s23] =	ssyncadd.s32 $0xFFFFFFFF  }
0xa5: {  	s26 =	simm.s32 $execute0_lowered;
	[smem:$0x3FD2] =	sst s25  }
0xa6: {  	s4 =	sshll.u32 s26, $0x1;
	_ =	strace $0x80000046;
	[dreg:$0x1] =	wrdreg $0xFFFFFFFF  }
0xa7: {  	s28 =	simm.s32 $_size_execute0_lowered;
	s2 =	sadd.s32 s2, s4;
	[dreg:$0x0] =	wrdreg $0x0  }
0xa8: {  	s4 =	sshll.u32 s28, $0x1;
	[dreg:$0x2] =	wrdreg s2  }
0xa9: {  	[dreg:$0x3] =	wrdreg s4  }
0xaa: {  	[dreg:$0x4] =	wrdreg $0xC0  }
0xab: {  	_ =	task [dreg:s6], $0x5FFFF  }
0xac: {  	[dreg:$0x1] =	wrdreg $0xFFFFFFFF  }
0xad: {  	[dreg:$0x0] =	wrdreg $0x60  }
0xae: {  	[dreg:$0x2] =	wrdreg s24  }
0xaf: {  	[dreg:$0x3] =	wrdreg $0x9  }
0xb0: {  	_ =	task.clear_ibuf [dreg:s6], $0x4FFFF;
	_ =	strace $0x90000046  }
0xb1: {  	s29 =	simm.s32 $0x9;
	_ =	strace $0x80000048  }
0xb2: {  	_ =	swait.ge [sflag:s29], $0x1  }
0xb3: {  	[sflag:s29] =	ssyncadd.s32 $0xFFFFFFFF  }
0xb4: {  	_ =	strace $0x90000048  }
0xb5: {  	_ =	sfence  }
0xb6: {  	s30 =	sld [smem:$0x0];
	_ =	sdelay $0x2  }
0xb7: {  	s31 =	sshll.u32 s1, $0xD;
	s1 =	sshrl.u32 s1, $0x2  }
0xb8: {  	s3 =	sand.u32 $0x4000, s31;
	s1 =	sadd.s32 s1, s30  }
0xb9: {  	s0 =	sor.u32 s3, s0;
	s1 =	sshll.u32 s1, $0x11  }
0xba: {  	s0 =	sor.u32 s1, s0  }
0xbb: {  	s0 =	sadd.s32 $0x8F2B, s0  }
0xbc: {  	[sflag:s0] =	ssyncadd.remote.s32 $0x1  }
0xbd: {  	_ =	sfence.sel $0xFFFF  }
0xbe: {  	[dreg:$0x0] =	wrdreg $0xFFFFFFFF;
	(pc) =	sbr.abs _section_cstart, $3  }
0xbf: {  	[dreg:$0x1] =	wrdreg $0xFFFFFFFF  }
0xc0: {  	_ =	task.clear_ibuf [dreg:s6], $0x2FFFF;
	_ =	strace $0x9FFFFFFF  }
0xc1: {  	(tm) =	ssettm $0x7FFFFFFF  }
tec
execute0_lowered:
.L_overlay_start_1:
0x0: {  	(tag) =	ssettag $0x1  }
0x1: {  	s1 =	srdreg.scid  }
0x2: {  	s0 =	stileid.u32;
	s6 =	sand.u32 $0x1, s1  }
0x3: {  	s8 =	rddreg [dreg:$0x0];
	s30 =	sshll.u32 s0, $0xD;
	s2 =	sshll.u32 s6, $0xC  }
0x4: {  	s7 =	simm.s32 $0x1;
	s1 =	rddreg [dreg:$0x1];
	s9 =	sor.u32 s2, s30  }
0x5: {  	s5 =	sadd.s32 $0x7000, s8;
	s2 =	simm.s32 $0x0;
	s3 =	sshrl.u32 s9, $0x3  }
0x6: {  	s10 =	ssub.s32 $0x2, s6;
	[smem:$0x7FF] =	sst s2;
	s3 =	sadd.s32 s3, s8  }
0x7: {  	_ =	strace $0x80000047;
	s4 =	sadd.s32 $0x8000, s3;
	s3 =	simm.s32 $0x2  }
0x8: {  	[tilespmem:s2], [sflag:$0x2] =	stream.linear.gather [hbm4b:s4+s2], $0x1000, $0x38;
	[tilespmem:$0x11000] =	vst v63  }
0x9: {  	s6 =	simm.s32 $0x1000;
	s11 =	sshrl.u32 s10, $0x1;
	_ =	swait.ge [sflag:s3], $0x1000  }
0xa: {  	s9 =	sshll.u32 s9, $0x1;
	s31 =	ssub.s32 s10, s11;
	[sflag:s3] =	ssyncset.done $0x0  }
0xb: {  	s8 =	sadd.s32 s9, s8;
	s9 =	smax.u32 s31, $0x1;
	[sflag:s3] =	ssyncadd.s32 $0xFFFFF000  }
0xc: {  	[tilespmem:s6], [sflag:$0x1] =	stream.indirect.gather [hbm4b:s5+s6], $0x10, s2, s6, $0xb8;
	[tilespmem:$0x11000] =	vst v63  }
0xd: {  	p0 =	sne.s32 s9, $0x1;
	_ =	swait.ge [sflag:s7], $0x10000  }
.Ltmp0:
0xe: {  	[sflag:s7] =	ssyncset.done $0x0;
	(pc) =	sbr.rel @!p0 .LBB2_2-.Ltmp0, $4  }
0xf: {  	s8 =	sadd.s32 $0xC000, s8;
	[sflag:s7] =	ssyncadd.s32 $0xFFFF0000  }
0x10: {  	[hbm4b:s8+s2] =	stream.linear.scatter [tilespmem:s6], [sflag:$0x2], $0x10000, $0x38;
	[tilespmem:$0x11000] =	vst v63  }
0x11: {  	_ =	swait.ge [sflag:s3], $0x10000  }
0x12: {  	s9 =	sadd.s32 $0xFFFFFFFF, s9;
	[sflag:s3] =	ssyncset.done $0x0  }
.LBB2_1:
0x13: {  	p0 =	sne.s32 s9, $0x1;
	s9 =	sadd.s32 $0xFFFFFFFF, s9;
	[sflag:s3] =	ssyncadd.s32 $0xFFFF0000  }
0x14: {  	[tilespmem:s2], [sflag:$0x2] =	stream.linear.gather [hbm4b:s4+s2], $0x1000, $0x38;
	[tilespmem:$0x11000] =	vst v63  }
0x15: {  	_ =	swait.ge [sflag:s3], $0x1000  }
0x16: {  	[sflag:s3] =	ssyncset.done $0x0  }
0x17: {  	[sflag:s3] =	ssyncadd.s32 $0xFFFFF000  }
0x18: {  	[tilespmem:s6], [sflag:$0x1] =	stream.indirect.gather [hbm4b:s5+s6], $0x10, s2, s6, $0xb8;
	[tilespmem:$0x11000] =	vst v63  }
0x19: {  	_ =	swait.ge [sflag:s7], $0x10000  }
.Ltmp1:
0x1a: {  	[sflag:s7] =	ssyncset.done $0x0;
	(pc) =	sbr.rel @p0 .LBB2_1-.Ltmp1, $4  }
0x1b: {  	[sflag:s7] =	ssyncadd.s32 $0xFFFF0000  }
0x1c: {  	[hbm4b:s8+s2] =	stream.linear.scatter [tilespmem:s6], [sflag:$0x2], $0x10000, $0x38;
	[tilespmem:$0x11000] =	vst v63  }
0x1d: {  	_ =	swait.ge [sflag:s3], $0x10000  }
0x1e: {  	[sflag:s3] =	ssyncset.done $0x0  }
.LBB2_2:
0x1f: {  	[sflag:s3] =	ssyncadd.s32 $0xFFFF0000  }
0x20: {  	_ =	sfence.sel $0x180000  }
0x21: {  	[bflag:$0x0] =	sbarrier.arrive $0xFFFF  }
0x22: {  	p0 =	sne.s32 s0, $0x0;
	_ =	strace $0x90000047  }
0x23: {  	s0 =	sadd.s32 @!p0 $0x100000, s1;
	[bflag:$0x2] =	sbarrier.arrive $0xFFFF  }
0x24: {  	[sflag:s0] =	ssyncadd.tile.s32 @!p0 $0x1;
	_ =	shalt  }
.Lfunc_end2:
_tile_overlayer_lowered:
.L_overlay_start_2:
0x25: {  	(tag) =	ssettag $0x2  }
0x26: {  	s0 =	rddreg [dreg:$0x0];
	s2 =	stileid.u32  }
0x27: {  	s1 =	rddreg [dreg:$0x1];
	p0 =	sne.s32 s2, $0x0  }
0x28: {  	s3 =	rddreg [dreg:$0x2];
	[bflag:$0x3] =	sbarrier.arrive $0xFFFF;
	s2 =	simm.s32 @!p0 $0x1C02  }
0x29: {  	[timem:s3], [sflag:s2] =	dma.local @!p0 [hbm:s0], s1  }
0x2a: {  	s0 =	simm.s32 @!p0 $0x2  }
0x2b: {  	_ =	swait.ge @!p0 [sflag:s0], s1  }
0x2c: {  	s1 =	ssub.s32 @!p0 $0x0, s1;
	[sflag:s0] =	ssyncset.done @!p0 $0x0  }
0x2d: {  	[sflag:s0] =	ssyncadd.s32 @!p0 s1  }
0x2e: {  	[bflag:$0x3] =	sbarrier.arrive $0xFFFF  }
0x2f: {  	_ =	shalt  }

// kernel: kernel.8.cloned.1.call-start
scs
__scs_entry_jumppad:
0x0: {  	(pc) =	sbr.rel $0x88, $3  }
0x1: {  	(tag) =	ssettag $0x0;
	lr =	simm.s32 $0x1  }
0x2: {  	[smem:$0x3F7D] =	sst lr;
	_ =	strace $0xD0000000  }
0x3: {  	_ = 	snop  }
0x4: {  	_ = 	snop  }
0x5: {  	_ = 	snop  }
0x6: {  	_ = 	snop  }
0x7: {  	_ = 	snop  }
__scs_overlays_trampoline_lowered:
0x8: {  	[smem:$0x3F8C] =	sst s0  }
0x9: {  	[smem:$0x3F8D] =	sst s1  }
0xa: {  	[smem:$0x3F8E] =	sst s2  }
0xb: {  	[smem:$0x3F8F] =	sst s3  }
0xc: {  	[smem:$0x3F90] =	sst s4  }
0xd: {  	[smem:$0x3F91] =	sst s5  }
0xe: {  	[smem:$0x3F92] =	sst s6  }
0xf: {  	[smem:$0x3F93] =	sst s7  }
0x10: {  	[smem:$0x3F94] =	sst s8  }
0x11: {  	[smem:$0x3F95] =	sst s9;
	s0 =	simm.s32 @!p0 $0x0  }
0x12: {  	s1 =	sld [smem:$0x3F7B];
	s0 =	simm.s32 @p0 $0x1  }
0x13: {  	[smem:$0x3F96] =	sst s0;
	s0 =	simm.s32 @!p1 $0x0  }
0x14: {  	s2 =	sld [smem:$0x3F7A];
	s0 =	simm.s32 @p1 $0x1  }
0x15: {  	[smem:$0x3F97] =	sst s0;
	s0 =	simm.s32 @!p2 $0x0  }
0x16: {  	s3 =	sld [smem:$0x3FDB];
	s0 =	simm.s32 @p2 $0x1  }
0x17: {  	s4 =	simm.s32 $0x1BF5;
	[smem:$0x3F99] =	sst s0  }
0x18: {  	s0 =	sld [smem:$0x3F7C];
	_ =	swait.ge [sflag:s4], $0x0  }
0x19: {  	s7 =	sld [smem:$0x3F7D]  }
0x1a: {  	s8 =	sadd.s32 $0xFFFFE003, lr  }
0x1b: {  	s9 =	sadd.s32 $0xFFFFFEF7, lr;
	s5 =	simm.s32 $0xFFFFFFFF;
	p2 =	slt.u32 s8, $0xFFFFF086  }
0x1c: {  	p1 =	slt.u32 s9, $0xF7A;
	s5 =	simm.s32 @!p2 $0x0  }
0x1d: {  	s5 =	simm.s32 @p1 $0x1;
	p0 =	seq.s32 s7, s2  }
0x1e: {  	s7 =	smul.u32 @!p0 $0xF7A, s2;
	p2 =	seq.s32 @!p0 s5, $0x0  }
0x1f: {  	s9 =	smul.u32 $0xF7A, s1;
	s8 =	simm.s32 @!p0 $0x1BF5;
	p2 =	por !p2, p0  }
0x20: {  	[sflag:s8] =	ssyncset.s32 @!p0 $0xFFFFF086;
	s6 =	sadd.s32 @!p0 s3, s7;
	s7 =	simm.s32 @!p0 $0x108  }
0x21: {  	s3 =	sadd.s32 s3, s9;
	s6 =	sadd.s32 @!p0 $0x88, s6;
	s7 =	simm.s32 @p2 $0x1082  }
0x22: {  	[simem:s7], [sflag:s8] =	dma.local @!p0 [hbm:s6], $0xF7A  }
0x23: {  	s9 =	sor.u32 $0xD0000000, s2;
	s6 =	simm.s32 $0x108;
	_ =	swait.ge @!p0 [sflag:s8], $0x0  }
0x24: {  	s3 =	sadd.s32 $0x88, s3;
	s6 =	simm.s32 @!p1 $0x1082;
	[sflag:s4] =	ssyncset.s32 $0xFFFFF086  }
0x25: {  	[simem:s6], [sflag:s4] =	dma.local [hbm:s3], $0xF7A  }
0x26: {  	[smem:$0x3F7D] =	sst s1;
	(tag) =	ssettag s2;
	_ =	strace s9  }
0x27: {  	s1 =	sld [smem:$0x3F8D]  }
0x28: {  	s2 =	sld [smem:$0x3F8E]  }
0x29: {  	s4 =	sld [smem:$0x3F90]  }
0x2a: {  	p0 =	seq.s32 s5, $0x0;
	s5 =	sld [smem:$0x3F91]  }
0x2b: {  	s6 =	sld [smem:$0x3F92]  }
0x2c: {  	s7 =	sld [smem:$0x3F93]  }
0x2d: {  	s3 =	simm.s32 $0x108;
	s8 =	sld [smem:$0x3F94]  }
0x2e: {  	s3 =	simm.s32 @!p0 $0x1082;
	s9 =	sld [smem:$0x3F95]  }
0x2f: {  	lr =	sadd.s32 s0, s3;
	s0 =	sld [smem:$0x3F8C]  }
0x30: {  	s3 =	sld [smem:$0x3F8F]  }
0x31: {  	[smem:$0x3F98] =	sst s10  }
0x32: {  	s10 =	sld [smem:$0x3F96];
	_ =	sdelay $0x3  }
0x33: {  	p0 =	seq.s32 s10, $0x1;
	s10 =	sld [smem:$0x3F98];
	_ =	sdelay $0x3  }
0x34: {  	[smem:$0x3F98] =	sst s10  }
0x35: {  	s10 =	sld [smem:$0x3F97];
	_ =	sdelay $0x3  }
0x36: {  	p1 =	seq.s32 s10, $0x1;
	s10 =	sld [smem:$0x3F98];
	_ =	sdelay $0x3  }
0x37: {  	[smem:$0x3F98] =	sst s10  }
0x38: {  	s10 =	sld [smem:$0x3F99]  }
0x39: {  	_ = 	snop;
	(pc) =	sbr.ind lr, $3  }
0x3a: {  	_ = 	snop  }
0x3b: {  	_ = 	snop  }
0x3c: {  	p2 =	seq.s32 s10, $0x1;
	s10 =	sld [smem:$0x3F98]  }
0x3d: {  	_ =	shalt  }
0x3e: {  	_ =	shalt  }
0x3f: {  	_ =	shalt  }
0x40: {  	_ =	shalt  }
0x41: {  	_ =	shalt  }
0x42: {  	_ =	shalt  }
0x43: {  	_ =	shalt  }
0x44: {  	_ =	shalt  }
0x45: {  	_ =	shalt  }
0x46: {  	_ =	shalt  }
0x47: {  	_ =	shalt  }
0x48: {  	_ =	shalt  }
0x49: {  	_ =	shalt  }
0x4a: {  	_ =	shalt  }
0x4b: {  	_ =	shalt  }
0x4c: {  	_ =	shalt  }
0x4d: {  	_ =	shalt  }
0x4e: {  	_ =	shalt  }
0x4f: {  	_ =	shalt  }
0x50: {  	_ =	shalt  }
0x51: {  	_ =	shalt  }
0x52: {  	_ =	shalt  }
0x53: {  	_ =	shalt  }
0x54: {  	_ =	shalt  }
0x55: {  	_ =	shalt  }
0x56: {  	_ =	shalt  }
0x57: {  	_ =	shalt  }
0x58: {  	_ =	shalt  }
0x59: {  	_ =	shalt  }
0x5a: {  	_ =	shalt  }
0x5b: {  	_ =	shalt  }
0x5c: {  	_ =	shalt  }
0x5d: {  	_ =	shalt  }
0x5e: {  	_ =	shalt  }
0x5f: {  	_ =	shalt  }
0x60: {  	_ =	shalt  }
0x61: {  	_ =	shalt  }
0x62: {  	_ =	shalt  }
0x63: {  	_ =	shalt  }
0x64: {  	_ =	shalt  }
0x65: {  	_ =	shalt  }
0x66: {  	_ =	shalt  }
0x67: {  	_ =	shalt  }
0x68: {  	_ =	shalt  }
0x69: {  	_ =	shalt  }
0x6a: {  	_ =	shalt  }
0x6b: {  	_ =	shalt  }
0x6c: {  	_ =	shalt  }
0x6d: {  	_ =	shalt  }
0x6e: {  	_ =	shalt  }
0x6f: {  	_ =	shalt  }
0x70: {  	_ =	shalt  }
0x71: {  	_ =	shalt  }
0x72: {  	_ =	shalt  }
0x73: {  	_ =	shalt  }
0x74: {  	_ =	shalt  }
0x75: {  	_ =	shalt  }
0x76: {  	_ =	shalt  }
0x77: {  	_ =	shalt  }
0x78: {  	_ =	shalt  }
0x79: {  	_ =	shalt  }
0x7a: {  	_ =	shalt  }
0x7b: {  	_ =	shalt  }
0x7c: {  	_ =	shalt  }
0x7d: {  	_ =	shalt  }
0x7e: {  	_ =	shalt  }
0x7f: {  	_ =	shalt  }
0x80: {  	_ =	shalt  }
0x81: {  	_ =	shalt  }
0x82: {  	_ =	shalt  }
0x83: {  	_ =	shalt  }
0x84: {  	_ =	shalt  }
0x85: {  	_ =	shalt  }
0x86: {  	_ =	shalt  }
0x87: {  	_ =	shalt  }
.Lfunc_end0:
.L_simem_size_0:
called_computation.1_lowered:
.L_overlay_start_0:
0x88: {  	s2 =	sld [smem:$0x3FD9]  }
0x89: {  	s3 =	sld [smem:$0x3FFE];
	_ =	sdelay $0x1  }
0x8a: {  	s1 =	srdreg.scid  }
0x8b: {  	s0 =	sand.u32 $0x1, s1  }
0x8c: {  	s16 =	sshll.u32 s0, $0xA;
	s2 =	sadd.s32 s3, s2  }
0x8d: {  	s2 =	sadd.s32 s2, s16  }
0x8e: {  	[smem:$0x3FA4] =	sst s2  }
0x8f: {  	_ = 	snop  }
0x90: {  	(tm) =	ssettm $0x1  }
0x91: {  	s17 =	sld [smem:$0x3FFB];
	_ =	sdelay $0x3  }
0x92: {  	_ =	strace s17  }
0x93: {  	s2 =	sld [smem:$0x3FFC];
	_ =	sdelay $0x3  }
0x94: {  	_ =	strace s2  }
0x95: {  	s2 =	sld [smem:$0x3FFD];
	_ =	sdelay $0x3  }
0x96: {  	_ =	strace s2  }
0x97: {  	_ =	strace $0x8FFFFFFF  }
0x98: {  	s18 =	sld [smem:$0x3FDB];
	_ =	sdelay $0x1  }
0x99: {  	s19 =	simm.s32 $_scs_section_size  }
0x9a: {  	s4 =	simm.s32 $_size__tile_overlayer_lowered;
	s5 =	simm.s32 $_tile_overlayer_lowered  }
0x9b: {  	s22 =	simm.s32 $0x1BFF;
	s21 =	sshll.u32 s5, $0x1;
	s2 =	sadd.s32 s19, s18  }
0x9c: {  	s6 =	simm.s32 $0x0;
	s20 =	sshll.u32 s4, $0x1;
	s4 =	sadd.s32 s21, s2  }
0x9d: {  	[timem:s6], [sflag:s22] =	dma.local [hbm:s4], s20  }
0x9e: {  	_ =	swait.ge [sflag:s22], s20  }
0x9f: {  	s3 =	ssub.s32 $0x0, s20;
	[sflag:s22] =	ssyncset.done $0x0  }
0xa0: {  	[sflag:s22] =	ssyncadd.s32 s3;
	_ =	sdelay $0x1  }
0xa1: {  	s23 =	simm.s32 $0x1B8B  }
0xa2: {  	_ =	swait.ge [sflag:s23], $0x1  }
0xa3: {  	[sflag:s23] =	ssyncset.done $0x0  }
0xa4: {  	s25 =	simm.s32 $0x1B8E;
	s24 =	sld [smem:$0x3FFE];
	[sflag:s23] =	ssyncadd.s32 $0xFFFFFFFF  }
0xa5: {  	s26 =	simm.s32 $execute0_lowered;
	[smem:$0x3FD2] =	sst s25  }
0xa6: {  	s4 =	sshll.u32 s26, $0x1;
	_ =	strace $0x80000049;
	[dreg:$0x1] =	wrdreg $0xFFFFFFFF  }
0xa7: {  	s28 =	simm.s32 $_size_execute0_lowered;
	s2 =	sadd.s32 s2, s4;
	[dreg:$0x0] =	wrdreg $0x0  }
0xa8: {  	s4 =	sshll.u32 s28, $0x1;
	[dreg:$0x2] =	wrdreg s2  }
0xa9: {  	[dreg:$0x3] =	wrdreg s4  }
0xaa: {  	[dreg:$0x4] =	wrdreg $0xC0  }
0xab: {  	_ =	task [dreg:s6], $0x5FFFF  }
0xac: {  	[dreg:$0x1] =	wrdreg $0xFFFFFFFF  }
0xad: {  	[dreg:$0x0] =	wrdreg $0x60  }
0xae: {  	[dreg:$0x2] =	wrdreg s24  }
0xaf: {  	[dreg:$0x3] =	wrdreg $0x88000  }
0xb0: {  	[dreg:$0x4] =	wrdreg $0x9  }
0xb1: {  	_ =	task.clear_ibuf [dreg:s6], $0x5FFFF;
	_ =	strace $0x90000049  }
0xb2: {  	s29 =	simm.s32 $0x9;
	_ =	strace $0x8000004B  }
0xb3: {  	_ =	swait.ge [sflag:s29], $0x1  }
0xb4: {  	[sflag:s29] =	ssyncadd.s32 $0xFFFFFFFF  }
0xb5: {  	_ =	strace $0x9000004B  }
0xb6: {  	_ =	sfence  }
0xb7: {  	s30 =	sld [smem:$0x0];
	_ =	sdelay $0x2  }
0xb8: {  	s31 =	sshll.u32 s1, $0xD;
	s1 =	sshrl.u32 s1, $0x2  }
0xb9: {  	s3 =	sand.u32 $0x4000, s31;
	s1 =	sadd.s32 s1, s30  }
0xba: {  	s0 =	sor.u32 s3, s0;
	s1 =	sshll.u32 s1, $0x11  }
0xbb: {  	s0 =	sor.u32 s1, s0  }
0xbc: {  	s0 =	sadd.s32 $0x8F2B, s0  }
0xbd: {  	[sflag:s0] =	ssyncadd.remote.s32 $0x1  }
0xbe: {  	_ =	sfence.sel $0xFFFF  }
0xbf: {  	[dreg:$0x0] =	wrdreg $0xFFFFFFFF;
	(pc) =	sbr.abs _section_cstart, $3  }
0xc0: {  	[dreg:$0x1] =	wrdreg $0xFFFFFFFF  }
0xc1: {  	_ =	task.clear_ibuf [dreg:s6], $0x2FFFF;
	_ =	strace $0x9FFFFFFF  }
0xc2: {  	(tm) =	ssettm $0x7FFFFFFF  }
0xc3: {  	_ =	shalt  }
tec
execute0_lowered:
.L_overlay_start_1:
0x0: {  	(tag) =	ssettag $0x1  }
0x1: {  	s3 =	rddreg [dreg:$0x0]  }
0x2: {  	s1 =	rddreg [dreg:$0x1];
	s2 =	srdreg.scid  }
0x3: {  	s0 =	rddreg [dreg:$0x2];
	s6 =	stileid.u32  }
0x4: {  	p1 =	por $0x0, $0x0;
	s4 =	sand.u32 $0x1, s2;
	s2 =	simm.s32 $0x0  }
0x5: {  	s7 =	sshll.u32 s4, $0xB;
	s29 =	sshll.u32 s4, $0xF;
	s4 =	ssub.s32 $0x2, s4  }
0x6: {  	s5 =	sshll.u32 s6, $0xC;
	s9 =	sshll.u32 s6, $0xB;
	s11 =	sshrl.u32 s4, $0x1  }
0x7: {  	s10 =	sadd.s32 $0x27000, s3;
	p0 =	sne.s32 s6, $0x0;
	s4 =	ssub.s32 s4, s11  }
0x8: {  	s6 =	sshll.u32 s6, $0x6;
	[smem:$0x7FF] =	sst s2;
	s31 =	smax.u32 s4, $0x1  }
0x9: {  	s30 =	sadd.s32 s9, s1;
	s6 =	sor.u32 $0x1C01, s6;
	s14 =	sadd.s32 $0xFFFFFFFF, s31  }
0xa: {  	s5 =	sor.u32 s7, s5;
	_ =	strace $0x8000004A;
	p2 =	sne.s32 s14, $0x0  }
.Ltmp0:
0xb: {  	s7 =	sshll.u32 s5, $0x1;
	s5 =	sshrl.u32 s5, $0x3;
	(pc) =	sbr.rel @!p2 .LBB2_3-.Ltmp0, $4  }
0xc: {  	s11 =	sshrl.u32 @!p0 s1, $0x3;
	s8 =	sadd.s32 s7, s3;
	s7 =	sor.u32 s9, s29  }
0xd: {  	s5 =	sadd.s32 s5, s3;
	s4 =	simm.s32 $0x1;
	s7 =	sshrl.u32 s7, $0x3  }
0xe: {  	s9 =	simm.s32 $0x800;
	s3 =	sadd.s32 s7, s3;
	s7 =	sadd.s32 $0x5000, s5  }
0xf: {  	s5 =	sadd.s32 $0x7000, s8;
	s8 =	sshrl.u32 s30, $0x3;
	s3 =	sadd.s32 $0x28000, s3  }
0x10: {  	s12 =	simm.s32 @!p0 $0x1C01;
	s13 =	simm.s32 @!p0 $0x1  }
0x11: {  	[spmem:s11], [sflag:s12] =	dma.local @!p0 [hbm:s10], $0x1000  }
0x12: {  	_ =	swait.ge @!p0 [sflag:s13], $0x1000  }
0x13: {  	[sflag:s13] =	ssyncset.done @!p0 $0x0  }
0x14: {  	[sflag:s13] =	ssyncadd.s32 @!p0 $0xFFFFF000  }
0x15: {  	[bflag:$0x0] =	sbarrier.arrive $0xFFFF  }
0x16: {  	[tilespmem:s2], [sflag:$0x1] =	stream.linear.gather [hbm4b:s7+s2], $0x800, $0x38;
	[tilespmem:$0x9000] =	vst v63  }
0x17: {  	_ =	swait.ge [sflag:s4], $0x800  }
0x18: {  	[sflag:s4] =	ssyncset.done $0x0  }
0x19: {  	[sflag:s4] =	ssyncadd.s32 $0xFFFFF800  }
0x1a: {  	[tilespmem:s9], [sflag:$0x1] =	stream.linear.gather [hbm4b:s5+s2], $0x8000, $0x38;
	[tilespmem:$0x9000] =	vst v63  }
0x1b: {  	_ =	swait.ge [sflag:s4], $0x8000  }
0x1c: {  	[sflag:s4] =	ssyncset.done $0x0  }
0x1d: {  	[sflag:s4] =	ssyncadd.s32 $0xFFFF8000  }
0x1e: {  	[spmem:s1] =	stream.indirect.scatter.add.f32 [tilespmem:s9], [sflag:$0x1], $0x10, s2, s9, $0xb8;
	[tilespmem:$0x9000] =	vst v63  }
0x1f: {  	s14 =	sadd.s32 $0xFFFFFFFF, s14;
	_ =	swait.ge [sflag:s4], $0x8000  }
0x20: {  	p2 =	sne.s32 s14, $0x0;
	[sflag:s4] =	ssyncset.done $0x0  }
.Ltmp1:
0x21: {  	[sflag:s4] =	ssyncadd.s32 $0xFFFF8000;
	(pc) =	sbr.rel @!p2 .LBB2_3-.Ltmp1, $4  }
0x22: {  	[bflag:$0x0] =	sbarrier.arrive $0xFFFF  }
0x23: {  	[hbm:s3], [sflag:s6] =	dma.local [spmem:s8], $0x100  }
0x24: {  	_ =	swait.ge [sflag:s4], $0x100  }
0x25: {  	p1 =	por $0x1, $0x1;
	[sflag:s4] =	ssyncset.done $0x0  }
.LBB2_2:
0x26: {  	[sflag:s4] =	ssyncadd.s32 $0xFFFFFF00  }
0x27: {  	[spmem:s11], [sflag:s12] =	dma.local @!p0 [hbm:s10], $0x1000  }
0x28: {  	s14 =	sadd.s32 $0xFFFFFFFF, s14;
	_ =	swait.ge @!p0 [sflag:s13], $0x1000  }
0x29: {  	p2 =	sne.s32 s14, $0x0;
	[sflag:s13] =	ssyncset.done @!p0 $0x0  }
0x2a: {  	[sflag:s13] =	ssyncadd.s32 @!p0 $0xFFFFF000  }
0x2b: {  	[bflag:$0x0] =	sbarrier.arrive $0xFFFF  }
0x2c: {  	[tilespmem:s2], [sflag:$0x1] =	stream.linear.gather [hbm4b:s7+s2], $0x800, $0x38;
	[tilespmem:$0x9000] =	vst v63  }
0x2d: {  	_ =	swait.ge [sflag:s4], $0x800  }
0x2e: {  	[sflag:s4] =	ssyncset.done $0x0  }
0x2f: {  	[sflag:s4] =	ssyncadd.s32 $0xFFFFF800  }
0x30: {  	[tilespmem:s9], [sflag:$0x1] =	stream.linear.gather [hbm4b:s5+s2], $0x8000, $0x38;
	[tilespmem:$0x9000] =	vst v63  }
0x31: {  	_ =	swait.ge [sflag:s4], $0x8000  }
0x32: {  	[sflag:s4] =	ssyncset.done $0x0  }
0x33: {  	[sflag:s4] =	ssyncadd.s32 $0xFFFF8000  }
0x34: {  	[spmem:s1] =	stream.indirect.scatter.add.f32 [tilespmem:s9], [sflag:$0x1], $0x10, s2, s9, $0xb8;
	[tilespmem:$0x9000] =	vst v63  }
0x35: {  	_ =	swait.ge [sflag:s4], $0x8000  }
0x36: {  	[sflag:s4] =	ssyncset.done $0x0  }
.Ltmp2:
0x37: {  	[sflag:s4] =	ssyncadd.s32 $0xFFFF8000;
	(pc) =	sbr.rel @p2 .LBB2_2-.Ltmp2, $4  }
0x38: {  	[bflag:$0x0] =	sbarrier.arrive $0xFFFF  }
0x39: {  	[hbm:s3], [sflag:s6] =	dma.local [spmem:s8], $0x100  }
0x3a: {  	_ =	swait.ge [sflag:s4], $0x100  }
0x3b: {  	[sflag:s4] =	ssyncset.done $0x0  }
.LBB2_3:
0x3c: {  	s12 =	simm.s32 @!p0 $0x1C01;
	s13 =	simm.s32 @!p0 $0x1;
	[sflag:s4] =	ssyncadd.s32 @p1 $0xFFFFFF00  }
0x3d: {  	[spmem:s11], [sflag:s12] =	dma.local @!p0 [hbm:s10], $0x1000  }
0x3e: {  	_ =	swait.ge @!p0 [sflag:s13], $0x1000  }
0x3f: {  	[sflag:s13] =	ssyncset.done @!p0 $0x0  }
0x40: {  	[sflag:s13] =	ssyncadd.s32 @!p0 $0xFFFFF000  }
0x41: {  	[bflag:$0x0] =	sbarrier.arrive $0xFFFF  }
0x42: {  	[tilespmem:s2], [sflag:$0x1] =	stream.linear.gather [hbm4b:s7+s2], $0x800, $0x38;
	[tilespmem:$0x9000] =	vst v63  }
0x43: {  	_ =	swait.ge [sflag:s4], $0x800  }
0x44: {  	[sflag:s4] =	ssyncset.done $0x0  }
0x45: {  	[sflag:s4] =	ssyncadd.s32 $0xFFFFF800  }
0x46: {  	[tilespmem:s9], [sflag:$0x1] =	stream.linear.gather [hbm4b:s5+s2], $0x8000, $0x38;
	[tilespmem:$0x9000] =	vst v63  }
0x47: {  	_ =	swait.ge [sflag:s4], $0x8000  }
0x48: {  	[sflag:s4] =	ssyncset.done $0x0  }
0x49: {  	[sflag:s4] =	ssyncadd.s32 $0xFFFF8000  }
0x4a: {  	[spmem:s1] =	stream.indirect.scatter.add.f32 [tilespmem:s9], [sflag:$0x1], $0x10, s2, s9, $0xb8;
	[tilespmem:$0x9000] =	vst v63  }
0x4b: {  	_ =	swait.ge [sflag:s4], $0x8000  }
0x4c: {  	[sflag:s4] =	ssyncset.done $0x0  }
0x4d: {  	[sflag:s4] =	ssyncadd.s32 $0xFFFF8000  }
0x4e: {  	[bflag:$0x0] =	sbarrier.arrive $0xFFFF  }
0x4f: {  	[hbm:s3], [sflag:s6] =	dma.local [spmem:s8], $0x100  }
0x50: {  	_ =	swait.ge [sflag:s4], $0x100  }
0x51: {  	[sflag:s4] =	ssyncset.done $0x0  }
0x52: {  	[sflag:s4] =	ssyncadd.s32 $0xFFFFFF00  }
0x53: {  	_ =	sfence.sel $0x180000  }
0x54: {  	[bflag:$0x0] =	sbarrier.arrive $0xFFFF  }
0x55: {  	_ =	strace $0x9000004A  }
0x56: {  	s0 =	sadd.s32 @!p0 $0x100000, s0;
	[bflag:$0x2] =	sbarrier.arrive $0xFFFF  }
0x57: {  	[sflag:s0] =	ssyncadd.tile.s32 @!p0 $0x1;
	_ =	shalt  }
.Lfunc_end2:
_tile_overlayer_lowered:
.L_overlay_start_2:
0x58: {  	(tag) =	ssettag $0x2  }
0x59: {  	s0 =	rddreg [dreg:$0x0];
	s2 =	stileid.u32  }
0x5a: {  	s1 =	rddreg [dreg:$0x1];
	p0 =	sne.s32 s2, $0x0  }
0x5b: {  	s3 =	rddreg [dreg:$0x2];
	[bflag:$0x3] =	sbarrier.arrive $0xFFFF;
	s2 =	simm.s32 @!p0 $0x1C01  }
0x5c: {  	[timem:s3], [sflag:s2] =	dma.local @!p0 [hbm:s0], s1  }
0x5d: {  	s0 =	simm.s32 @!p0 $0x1  }
0x5e: {  	_ =	swait.ge @!p0 [sflag:s0], s1  }
0x5f: {  	s1 =	ssub.s32 @!p0 $0x0, s1;
	[sflag:s0] =	ssyncset.done @!p0 $0x0  }
0x60: {  	[sflag:s0] =	ssyncadd.s32 @!p0 s1  }
0x61: {  	[bflag:$0x3] =	sbarrier.arrive $0xFFFF  }
0x62: {  	_ =	shalt  }

</sc_bundles>
